<compile_context>
chip_gen: v7x
topology: tpu7x:2x2x1
jax: 0.10.2.dev20260603
libtpu: 0.0.44.dev20260713+nightly
codegen_flags: <defaults>
</compile_context>

<pallas_src>
import functools

import jax
import jax.numpy as jnp
from jax import lax
from jax.experimental import pallas as pl
from jax.experimental.pallas import tpu as pltpu
from jax.experimental.pallas import tpu_sc as plsc

N_NODES = 10000
N_EDGES = 320000
D = 128
EPS = 1e-5

NC = 2
NS = 16
NW = NC * NS
E_PER_W = N_EDGES // NW
CHUNK = 80
NCHUNK = 125
NPAD = 10240
ROWS_PER_TILE = NPAD // NS
ZROWS = CHUNK



def _spmm_body(xw_hbm, src_hbm, dst_hbm, zeros_hbm, out_hbm,
               src_v, dst_v, rows0, acc_sh, sem_g0):
    c = lax.axis_index("c")
    s = lax.axis_index("s")
    wid = c * NS + s

    pltpu.sync_copy(src_hbm.at[wid], src_v)
    pltpu.sync_copy(dst_hbm.at[wid], dst_v)

    pltpu.sync_copy(zeros_hbm, rows0)
    row0 = s * ROWS_PER_TILE
    for j in range(ROWS_PER_TILE // ZROWS):
        pltpu.sync_copy(rows0, acc_sh.at[pl.ds(row0 + j * ZROWS, ZROWS)])
    plsc.subcore_barrier()

    def body(i, carry):
        pltpu.async_copy(xw_hbm.at[src_v.at[i]], rows0, sem_g0).wait()
        pltpu.sync_copy(rows0, acc_sh.at[dst_v.at[i]], add=True)
        return carry

    lax.fori_loop(0, NCHUNK, body, 0)
    plsc.subcore_barrier()

    pltpu.sync_copy(acc_sh.at[pl.ds(row0, ROWS_PER_TILE)],
                    out_hbm.at[c, pl.ds(row0, ROWS_PER_TILE)])


@functools.cache
def _make_spmm_sc():
    mesh = plsc.VectorSubcoreMesh(core_axis_name="c", subcore_axis_name="s",
                                  num_cores=NC, num_subcores=NS)
    return pl.kernel(
        _spmm_body,
        mesh=mesh,
        out_type=jax.ShapeDtypeStruct((NC, NPAD, D), jnp.float32),
        scratch_types=[
            pltpu.VMEM((NCHUNK, CHUNK), jnp.int32),
            pltpu.VMEM((NCHUNK, CHUNK), jnp.int32),
            pltpu.VMEM((CHUNK, D), jnp.float32),
            pltpu.VMEM_SHARED((NPAD, D), jnp.float32),
            pltpu.SemaphoreType.DMA,
        ],
    )


def _spmm_sc(xw, src, dst, zeros):
    return _make_spmm_sc()(xw, src, dst, zeros)



def _mm2_body(h_ref, ws_ref, wn_ref, s_ref, n_ref):
    h = h_ref[...]
    dn = (((1,), (1,)), ((), ()))
    s_ref[...] = lax.dot_general(h, ws_ref[...], dn,
                                 preferred_element_type=jnp.float32)
    n_ref[...] = lax.dot_general(h, wn_ref[...], dn,
                                 preferred_element_type=jnp.float32)


_mm2 = pl.pallas_call(
    _mm2_body,
    out_shape=(jax.ShapeDtypeStruct((N_NODES, D), jnp.float32),
               jax.ShapeDtypeStruct((N_NODES, D), jnp.float32)),
)


def _mid_body(s_ref, agg_ref, g_ref, b_ref, ws_ref, wn_ref,
              s_out_ref, n_out_ref):
    h = (s_ref[...] + agg_ref[0, pl.ds(0, N_NODES), :]
         + agg_ref[1, pl.ds(0, N_NODES), :])
    mu = jnp.mean(h, axis=0, keepdims=True)
    var = jnp.mean((h - mu) ** 2, axis=0, keepdims=True)
    h = (h - mu) * lax.rsqrt(var + EPS) * g_ref[...] + b_ref[...]
    h = jnp.maximum(h, 0.0)
    dn = (((1,), (1,)), ((), ()))
    s_out_ref[...] = lax.dot_general(h, ws_ref[...], dn,
                                     preferred_element_type=jnp.float32)
    n_out_ref[...] = lax.dot_general(h, wn_ref[...], dn,
                                     preferred_element_type=jnp.float32)


_mid = pl.pallas_call(
    _mid_body,
    out_shape=(jax.ShapeDtypeStruct((N_NODES, D), jnp.float32),
               jax.ShapeDtypeStruct((N_NODES, D), jnp.float32)),
)


def _final_body(s_ref, agg_ref, o_ref):
    h = (s_ref[...] + agg_ref[0, pl.ds(0, N_NODES), :]
         + agg_ref[1, pl.ds(0, N_NODES), :])
    m = jnp.max(h, axis=1, keepdims=True)
    e = jnp.exp(h - m)
    lse = jnp.log(jnp.sum(e, axis=1, keepdims=True)) + m
    o_ref[...] = h - lse


_final = pl.pallas_call(
    _final_body,
    out_shape=jax.ShapeDtypeStruct((N_NODES, D), jnp.float32),
)



def kernel(x, edge_index, W_self1, W_neigh1, bn1_gamma, bn1_beta,
           W_self2, W_neigh2, bn2_gamma, bn2_beta, W_self3, W_neigh3):
    src = edge_index[0].astype(jnp.int32).reshape(NW, NCHUNK, CHUNK)
    dst = edge_index[1].astype(jnp.int32).reshape(NW, NCHUNK, CHUNK)
    zeros = jnp.zeros((ZROWS, D), jnp.float32)
    g1 = bn1_gamma.reshape(1, D)
    b1 = bn1_beta.reshape(1, D)
    g2 = bn2_gamma.reshape(1, D)
    b2 = bn2_beta.reshape(1, D)

    s1, n1 = _mm2(x, W_self1, W_neigh1)
    agg = _spmm_sc(n1, src, dst, zeros)
    s2, n2 = _mid(s1, agg, g1, b1, W_self2, W_neigh2)
    agg = _spmm_sc(n2, src, dst, zeros)
    s3, n3 = _mid(s2, agg, g2, b2, W_self3, W_neigh3)
    agg = _spmm_sc(n3, src, dst, zeros)
    return _final(s3, agg)

# --- scband reference (transcript-rebuilt; emitter-appended) ---
"""Pipeline reference for scband-graph-sage-1898375544834 (READ-ONLY COPY).

The authoritative reference and input builder live on the scoring server;
editing this copy changes nothing except your own understanding.
"""

import jax, jax.numpy as jnp
import numpy as np

N_NODES = 10000
N_EDGES = 320000
D_IN = 128
D_HID = 128
D_OUT = 128
EPS = 1e-5

def setup_inputs(seed: int = 0) -> dict:
    key = jax.random.key(seed)
    ks = jax.random.split(key, 12)
    x = jax.random.normal(ks[0], (N_NODES, D_IN), dtype=jnp.float32)
    edge_index = jax.random.randint(ks[1], (2, N_EDGES), 0, N_NODES, dtype=jnp.int64)
    def xavier(k, shape):
        gain = float(np.sqrt(2.0))  # calculate_gain('relu')
        fan_in, fan_out = shape[1], shape[0]
        a = gain * np.sqrt(6.0 / (fan_in + fan_out))
        return jax.random.uniform(k, shape, dtype=jnp.float32, minval=-a, maxval=a)
    return {
        "x": x,
        "edge_index": edge_index,
        "W_self1": xavier(ks[2], (D_HID, D_IN)),
        "W_neigh1": xavier(ks[3], (D_HID, D_IN)),
        "bn1_gamma": jnp.ones((D_HID,), dtype=jnp.float32),
        "bn1_beta": jnp.zeros((D_HID,), dtype=jnp.float32),
        "W_self2": xavier(ks[4], (D_HID, D_HID)),
        "W_neigh2": xavier(ks[5], (D_HID, D_HID)),
        "bn2_gamma": jnp.ones((D_HID,), dtype=jnp.float32),
        "bn2_beta": jnp.zeros((D_HID,), dtype=jnp.float32),
        "W_self3": xavier(ks[6], (D_OUT, D_HID)),
        "W_neigh3": xavier(ks[7], (D_OUT, D_HID)),
    }

def _spmm(x, src, dst):
    # SpMM with binary adjacency: Y[v] = sum_{(u->v) in E} X[u]
    gathered = jnp.take(x, src, axis=0)
    return jax.ops.segment_sum(gathered, dst, num_segments=N_NODES)

def _sage(x, src, dst, W_self, W_neigh):
    return x @ W_self.T + _spmm(x, src, dst) @ W_neigh.T

def _bn(x, gamma, beta):
    mu = jnp.mean(x, axis=0)
    var = jnp.var(x, axis=0)
    return (x - mu) / jnp.sqrt(var + EPS) * gamma + beta

def reference(x, edge_index, W_self1, W_neigh1, bn1_gamma, bn1_beta,
              W_self2, W_neigh2, bn2_gamma, bn2_beta, W_self3, W_neigh3):
    src = edge_index[0]
    dst = edge_index[1]
    h = _sage(x, src, dst, W_self1, W_neigh1)
    h = _bn(h, bn1_gamma, bn1_beta)
    h = jax.nn.relu(h)
    h = _sage(h, src, dst, W_self2, W_neigh2)
    h = _bn(h, bn2_gamma, bn2_beta)
    h = jax.nn.relu(h)
    h = _sage(h, src, dst, W_self3, W_neigh3)
    return jax.nn.log_softmax(h, axis=-1)

if __name__ == "__main__":
    import jax
    _d = setup_inputs()
    print(jax.jit(kernel)(*tuple(_d.values())))

</pallas_src>

<mosaic_0001>
#map = affine_map<(d0, d1) -> (0, 0)>
#map1 = affine_map<(d0, d1) -> (0, 0, 0)>
module attributes {stable_mosaic.version = 14 : i64} {
  func.func @_spmm_body(%arg0: i32, %arg1: i32, %arg2: memref<10000x128xf32, #tpu.memory_space<hbm>>, %arg3: memref<32x125x80xi32, #tpu.memory_space<hbm>>, %arg4: memref<32x125x80xi32, #tpu.memory_space<hbm>>, %arg5: memref<80x128xf32, #tpu.memory_space<hbm>>, %arg6: memref<2x10240x128xf32, #tpu.memory_space<hbm>>, %arg7: memref<125x80xi32, #tpu.memory_space<vmem>>, %arg8: memref<125x80xi32, #tpu.memory_space<vmem>>, %arg9: memref<80x128xf32, #tpu.memory_space<vmem>>, %arg10: memref<10240x128xf32, #tpu.memory_space<vmem_shared>>, %arg11: memref<!tpu.dma_semaphore, #tpu.memory_space<semaphore_mem>>) attributes {dimension_semantics = [#tpu.dimension_semantics<core_parallel>, #tpu.dimension_semantics<subcore_parallel>], iteration_bounds = array<i64: 2, 16>, scalar_prefetch = 0 : i64, scratch_operands = 5 : i64, tpu.core_type = #tpu.core_type<sc_vector_subcore>, window_params = [{transform_indices = #map}, {transform_indices = #map1}, {transform_indices = #map1}, {transform_indices = #map}, {transform_indices = #map1}]} {
    %mul3A = arith.constant 16 : i32
    %mul3A_0 = arith.muli %arg0, %mul3A : i32
    %add3A = arith.addi %mul3A_0, %arg1 : i32
    "tpu.region"() ({
      %run_scoped3A = tpu.sem_alloc : memref<!tpu.dma_semaphore, #tpu.memory_space<semaphore_mem>>
      %dma_start3A = arith.constant 0 : i32
      %dma_start3A_25 = arith.constant 0 : i32
      %dma_start3A_26 = tpu.memref_slice %arg3[%add3A, %dma_start3A, %dma_start3A_25] : memref<32x125x80xi32, #tpu.memory_space<hbm>> -> memref<1x125x80xi32, #tpu.memory_space<hbm>>
      %dma_start3A_27 = tpu.memref_squeeze %dma_start3A_26 : memref<1x125x80xi32, #tpu.memory_space<hbm>> -> memref<125x80xi32, #tpu.memory_space<hbm>>
      %dma_start3A_28 = arith.constant 0 : i32
      %dma_start3A_29 = arith.constant 0 : i32
      %dma_start3A_30 = tpu.memref_slice %arg3[%add3A, %dma_start3A_28, %dma_start3A_29] : memref<32x125x80xi32, #tpu.memory_space<hbm>> -> memref<1x125x80xi32, #tpu.memory_space<hbm>>
      %dma_start3A_31 = tpu.memref_squeeze %dma_start3A_30 : memref<1x125x80xi32, #tpu.memory_space<hbm>> -> memref<125x80xi32, #tpu.memory_space<hbm>>
      tpu.enqueue_dma source(%dma_start3A_31 : memref<125x80xi32, #tpu.memory_space<hbm>>) target(%arg7 : memref<125x80xi32, #tpu.memory_space<vmem>>) target_semaphore(%run_scoped3A : memref<!tpu.dma_semaphore, #tpu.memory_space<semaphore_mem>>)
      %dma_wait3A = arith.constant 0 : i32
      %dma_wait3A_32 = arith.constant 0 : i32
      %dma_wait3A_33 = tpu.memref_slice %arg3[%add3A, %dma_wait3A, %dma_wait3A_32] : memref<32x125x80xi32, #tpu.memory_space<hbm>> -> memref<1x125x80xi32, #tpu.memory_space<hbm>>
      %dma_wait3A_34 = tpu.memref_squeeze %dma_wait3A_33 : memref<1x125x80xi32, #tpu.memory_space<hbm>> -> memref<125x80xi32, #tpu.memory_space<hbm>>
      %dma_wait3A_35 = arith.constant 0 : i32
      %dma_wait3A_36 = arith.constant 0 : i32
      %dma_wait3A_37 = tpu.memref_slice %arg3[%add3A, %dma_wait3A_35, %dma_wait3A_36] : memref<32x125x80xi32, #tpu.memory_space<hbm>> -> memref<1x125x80xi32, #tpu.memory_space<hbm>>
      %dma_wait3A_38 = tpu.memref_squeeze %dma_wait3A_37 : memref<1x125x80xi32, #tpu.memory_space<hbm>> -> memref<125x80xi32, #tpu.memory_space<hbm>>
      tpu.wait_dma2 semaphore(%run_scoped3A : memref<!tpu.dma_semaphore, #tpu.memory_space<semaphore_mem>>) src(%dma_wait3A_38 : memref<125x80xi32, #tpu.memory_space<hbm>>) dst(%arg7 : memref<125x80xi32, #tpu.memory_space<vmem>>)
      tpu.yield
    }) : () -> ()
    "tpu.region"() ({
      %run_scoped3A = tpu.sem_alloc : memref<!tpu.dma_semaphore, #tpu.memory_space<semaphore_mem>>
      %dma_start3A = arith.constant 0 : i32
      %dma_start3A_25 = arith.constant 0 : i32
      %dma_start3A_26 = tpu.memref_slice %arg4[%add3A, %dma_start3A, %dma_start3A_25] : memref<32x125x80xi32, #tpu.memory_space<hbm>> -> memref<1x125x80xi32, #tpu.memory_space<hbm>>
      %dma_start3A_27 = tpu.memref_squeeze %dma_start3A_26 : memref<1x125x80xi32, #tpu.memory_space<hbm>> -> memref<125x80xi32, #tpu.memory_space<hbm>>
      %dma_start3A_28 = arith.constant 0 : i32
      %dma_start3A_29 = arith.constant 0 : i32
      %dma_start3A_30 = tpu.memref_slice %arg4[%add3A, %dma_start3A_28, %dma_start3A_29] : memref<32x125x80xi32, #tpu.memory_space<hbm>> -> memref<1x125x80xi32, #tpu.memory_space<hbm>>
      %dma_start3A_31 = tpu.memref_squeeze %dma_start3A_30 : memref<1x125x80xi32, #tpu.memory_space<hbm>> -> memref<125x80xi32, #tpu.memory_space<hbm>>
      tpu.enqueue_dma source(%dma_start3A_31 : memref<125x80xi32, #tpu.memory_space<hbm>>) target(%arg8 : memref<125x80xi32, #tpu.memory_space<vmem>>) target_semaphore(%run_scoped3A : memref<!tpu.dma_semaphore, #tpu.memory_space<semaphore_mem>>)
      %dma_wait3A = arith.constant 0 : i32
      %dma_wait3A_32 = arith.constant 0 : i32
      %dma_wait3A_33 = tpu.memref_slice %arg4[%add3A, %dma_wait3A, %dma_wait3A_32] : memref<32x125x80xi32, #tpu.memory_space<hbm>> -> memref<1x125x80xi32, #tpu.memory_space<hbm>>
      %dma_wait3A_34 = tpu.memref_squeeze %dma_wait3A_33 : memref<1x125x80xi32, #tpu.memory_space<hbm>> -> memref<125x80xi32, #tpu.memory_space<hbm>>
      %dma_wait3A_35 = arith.constant 0 : i32
      %dma_wait3A_36 = arith.constant 0 : i32
      %dma_wait3A_37 = tpu.memref_slice %arg4[%add3A, %dma_wait3A_35, %dma_wait3A_36] : memref<32x125x80xi32, #tpu.memory_space<hbm>> -> memref<1x125x80xi32, #tpu.memory_space<hbm>>
      %dma_wait3A_38 = tpu.memref_squeeze %dma_wait3A_37 : memref<1x125x80xi32, #tpu.memory_space<hbm>> -> memref<125x80xi32, #tpu.memory_space<hbm>>
      tpu.wait_dma2 semaphore(%run_scoped3A : memref<!tpu.dma_semaphore, #tpu.memory_space<semaphore_mem>>) src(%dma_wait3A_38 : memref<125x80xi32, #tpu.memory_space<hbm>>) dst(%arg8 : memref<125x80xi32, #tpu.memory_space<vmem>>)
      tpu.yield
    }) : () -> ()
    "tpu.region"() ({
      %run_scoped3A = tpu.sem_alloc : memref<!tpu.dma_semaphore, #tpu.memory_space<semaphore_mem>>
      tpu.enqueue_dma source(%arg5 : memref<80x128xf32, #tpu.memory_space<hbm>>) target(%arg9 : memref<80x128xf32, #tpu.memory_space<vmem>>) target_semaphore(%run_scoped3A : memref<!tpu.dma_semaphore, #tpu.memory_space<semaphore_mem>>)
      tpu.wait_dma2 semaphore(%run_scoped3A : memref<!tpu.dma_semaphore, #tpu.memory_space<semaphore_mem>>) src(%arg5 : memref<80x128xf32, #tpu.memory_space<hbm>>) dst(%arg9 : memref<80x128xf32, #tpu.memory_space<vmem>>)
      tpu.yield
    }) : () -> ()
    %mul3A_1 = arith.constant 640 : i32
    %mul3A_2 = arith.muli %arg1, %mul3A_1 : i32
    %add3A_3 = arith.constant 0 : i32
    %add3A_4 = arith.addi %mul3A_2, %add3A_3 : i32
    "tpu.region"() ({
      %run_scoped3A = tpu.sem_alloc : memref<!tpu.dma_semaphore, #tpu.memory_space<semaphore_mem>>
      %dma_start3A = arith.constant 0 : i32
      %dma_start3A_25 = tpu.memref_slice %arg10[%add3A_4, %dma_start3A] : memref<10240x128xf32, #tpu.memory_space<vmem_shared>> -> memref<80x128xf32, #tpu.memory_space<vmem_shared>>
      %dma_start3A_26 = arith.constant 0 : i32
      %dma_start3A_27 = tpu.memref_slice %arg10[%add3A_4, %dma_start3A_26] : memref<10240x128xf32, #tpu.memory_space<vmem_shared>> -> memref<80x128xf32, #tpu.memory_space<vmem_shared>>
      tpu.enqueue_dma source(%arg9 : memref<80x128xf32, #tpu.memory_space<vmem>>) target(%dma_start3A_27 : memref<80x128xf32, #tpu.memory_space<vmem_shared>>) target_semaphore(%run_scoped3A : memref<!tpu.dma_semaphore, #tpu.memory_space<semaphore_mem>>)
      %dma_wait3A = arith.constant 0 : i32
      %dma_wait3A_28 = tpu.memref_slice %arg10[%add3A_4, %dma_wait3A] : memref<10240x128xf32, #tpu.memory_space<vmem_shared>> -> memref<80x128xf32, #tpu.memory_space<vmem_shared>>
      %dma_wait3A_29 = arith.constant 0 : i32
      %dma_wait3A_30 = tpu.memref_slice %arg10[%add3A_4, %dma_wait3A_29] : memref<10240x128xf32, #tpu.memory_space<vmem_shared>> -> memref<80x128xf32, #tpu.memory_space<vmem_shared>>
      tpu.wait_dma2 semaphore(%run_scoped3A : memref<!tpu.dma_semaphore, #tpu.memory_space<semaphore_mem>>) src(%arg9 : memref<80x128xf32, #tpu.memory_space<vmem>>) dst(%dma_wait3A_30 : memref<80x128xf32, #tpu.memory_space<vmem_shared>>)
      tpu.yield
    }) : () -> ()
    %add3A_5 = arith.constant 80 : i32
    %add3A_6 = arith.addi %mul3A_2, %add3A_5 : i32
    "tpu.region"() ({
      %run_scoped3A = tpu.sem_alloc : memref<!tpu.dma_semaphore, #tpu.memory_space<semaphore_mem>>
      %dma_start3A = arith.constant 0 : i32
      %dma_start3A_25 = tpu.memref_slice %arg10[%add3A_6, %dma_start3A] : memref<10240x128xf32, #tpu.memory_space<vmem_shared>> -> memref<80x128xf32, #tpu.memory_space<vmem_shared>>
      %dma_start3A_26 = arith.constant 0 : i32
      %dma_start3A_27 = tpu.memref_slice %arg10[%add3A_6, %dma_start3A_26] : memref<10240x128xf32, #tpu.memory_space<vmem_shared>> -> memref<80x128xf32, #tpu.memory_space<vmem_shared>>
      tpu.enqueue_dma source(%arg9 : memref<80x128xf32, #tpu.memory_space<vmem>>) target(%dma_start3A_27 : memref<80x128xf32, #tpu.memory_space<vmem_shared>>) target_semaphore(%run_scoped3A : memref<!tpu.dma_semaphore, #tpu.memory_space<semaphore_mem>>)
      %dma_wait3A = arith.constant 0 : i32
      %dma_wait3A_28 = tpu.memref_slice %arg10[%add3A_6, %dma_wait3A] : memref<10240x128xf32, #tpu.memory_space<vmem_shared>> -> memref<80x128xf32, #tpu.memory_space<vmem_shared>>
      %dma_wait3A_29 = arith.constant 0 : i32
      %dma_wait3A_30 = tpu.memref_slice %arg10[%add3A_6, %dma_wait3A_29] : memref<10240x128xf32, #tpu.memory_space<vmem_shared>> -> memref<80x128xf32, #tpu.memory_space<vmem_shared>>
      tpu.wait_dma2 semaphore(%run_scoped3A : memref<!tpu.dma_semaphore, #tpu.memory_space<semaphore_mem>>) src(%arg9 : memref<80x128xf32, #tpu.memory_space<vmem>>) dst(%dma_wait3A_30 : memref<80x128xf32, #tpu.memory_space<vmem_shared>>)
      tpu.yield
    }) : () -> ()
    %add3A_7 = arith.constant 160 : i32
    %add3A_8 = arith.addi %mul3A_2, %add3A_7 : i32
    "tpu.region"() ({
      %run_scoped3A = tpu.sem_alloc : memref<!tpu.dma_semaphore, #tpu.memory_space<semaphore_mem>>
      %dma_start3A = arith.constant 0 : i32
      %dma_start3A_25 = tpu.memref_slice %arg10[%add3A_8, %dma_start3A] : memref<10240x128xf32, #tpu.memory_space<vmem_shared>> -> memref<80x128xf32, #tpu.memory_space<vmem_shared>>
      %dma_start3A_26 = arith.constant 0 : i32
      %dma_start3A_27 = tpu.memref_slice %arg10[%add3A_8, %dma_start3A_26] : memref<10240x128xf32, #tpu.memory_space<vmem_shared>> -> memref<80x128xf32, #tpu.memory_space<vmem_shared>>
      tpu.enqueue_dma source(%arg9 : memref<80x128xf32, #tpu.memory_space<vmem>>) target(%dma_start3A_27 : memref<80x128xf32, #tpu.memory_space<vmem_shared>>) target_semaphore(%run_scoped3A : memref<!tpu.dma_semaphore, #tpu.memory_space<semaphore_mem>>)
      %dma_wait3A = arith.constant 0 : i32
      %dma_wait3A_28 = tpu.memref_slice %arg10[%add3A_8, %dma_wait3A] : memref<10240x128xf32, #tpu.memory_space<vmem_shared>> -> memref<80x128xf32, #tpu.memory_space<vmem_shared>>
      %dma_wait3A_29 = arith.constant 0 : i32
      %dma_wait3A_30 = tpu.memref_slice %arg10[%add3A_8, %dma_wait3A_29] : memref<10240x128xf32, #tpu.memory_space<vmem_shared>> -> memref<80x128xf32, #tpu.memory_space<vmem_shared>>
      tpu.wait_dma2 semaphore(%run_scoped3A : memref<!tpu.dma_semaphore, #tpu.memory_space<semaphore_mem>>) src(%arg9 : memref<80x128xf32, #tpu.memory_space<vmem>>) dst(%dma_wait3A_30 : memref<80x128xf32, #tpu.memory_space<vmem_shared>>)
      tpu.yield
    }) : () -> ()
    %add3A_9 = arith.constant 240 : i32
    %add3A_10 = arith.addi %mul3A_2, %add3A_9 : i32
    "tpu.region"() ({
      %run_scoped3A = tpu.sem_alloc : memref<!tpu.dma_semaphore, #tpu.memory_space<semaphore_mem>>
      %dma_start3A = arith.constant 0 : i32
      %dma_start3A_25 = tpu.memref_slice %arg10[%add3A_10, %dma_start3A] : memref<10240x128xf32, #tpu.memory_space<vmem_shared>> -> memref<80x128xf32, #tpu.memory_space<vmem_shared>>
      %dma_start3A_26 = arith.constant 0 : i32
      %dma_start3A_27 = tpu.memref_slice %arg10[%add3A_10, %dma_start3A_26] : memref<10240x128xf32, #tpu.memory_space<vmem_shared>> -> memref<80x128xf32, #tpu.memory_space<vmem_shared>>
      tpu.enqueue_dma source(%arg9 : memref<80x128xf32, #tpu.memory_space<vmem>>) target(%dma_start3A_27 : memref<80x128xf32, #tpu.memory_space<vmem_shared>>) target_semaphore(%run_scoped3A : memref<!tpu.dma_semaphore, #tpu.memory_space<semaphore_mem>>)
      %dma_wait3A = arith.constant 0 : i32
      %dma_wait3A_28 = tpu.memref_slice %arg10[%add3A_10, %dma_wait3A] : memref<10240x128xf32, #tpu.memory_space<vmem_shared>> -> memref<80x128xf32, #tpu.memory_space<vmem_shared>>
      %dma_wait3A_29 = arith.constant 0 : i32
      %dma_wait3A_30 = tpu.memref_slice %arg10[%add3A_10, %dma_wait3A_29] : memref<10240x128xf32, #tpu.memory_space<vmem_shared>> -> memref<80x128xf32, #tpu.memory_space<vmem_shared>>
      tpu.wait_dma2 semaphore(%run_scoped3A : memref<!tpu.dma_semaphore, #tpu.memory_space<semaphore_mem>>) src(%arg9 : memref<80x128xf32, #tpu.memory_space<vmem>>) dst(%dma_wait3A_30 : memref<80x128xf32, #tpu.memory_space<vmem_shared>>)
      tpu.yield
    }) : () -> ()
    %add3A_11 = arith.constant 320 : i32
    %add3A_12 = arith.addi %mul3A_2, %add3A_11 : i32
    "tpu.region"() ({
      %run_scoped3A = tpu.sem_alloc : memref<!tpu.dma_semaphore, #tpu.memory_space<semaphore_mem>>
      %dma_start3A = arith.constant 0 : i32
      %dma_start3A_25 = tpu.memref_slice %arg10[%add3A_12, %dma_start3A] : memref<10240x128xf32, #tpu.memory_space<vmem_shared>> -> memref<80x128xf32, #tpu.memory_space<vmem_shared>>
      %dma_start3A_26 = arith.constant 0 : i32
      %dma_start3A_27 = tpu.memref_slice %arg10[%add3A_12, %dma_start3A_26] : memref<10240x128xf32, #tpu.memory_space<vmem_shared>> -> memref<80x128xf32, #tpu.memory_space<vmem_shared>>
      tpu.enqueue_dma source(%arg9 : memref<80x128xf32, #tpu.memory_space<vmem>>) target(%dma_start3A_27 : memref<80x128xf32, #tpu.memory_space<vmem_shared>>) target_semaphore(%run_scoped3A : memref<!tpu.dma_semaphore, #tpu.memory_space<semaphore_mem>>)
      %dma_wait3A = arith.constant 0 : i32
      %dma_wait3A_28 = tpu.memref_slice %arg10[%add3A_12, %dma_wait3A] : memref<10240x128xf32, #tpu.memory_space<vmem_shared>> -> memref<80x128xf32, #tpu.memory_space<vmem_shared>>
      %dma_wait3A_29 = arith.constant 0 : i32
      %dma_wait3A_30 = tpu.memref_slice %arg10[%add3A_12, %dma_wait3A_29] : memref<10240x128xf32, #tpu.memory_space<vmem_shared>> -> memref<80x128xf32, #tpu.memory_space<vmem_shared>>
      tpu.wait_dma2 semaphore(%run_scoped3A : memref<!tpu.dma_semaphore, #tpu.memory_space<semaphore_mem>>) src(%arg9 : memref<80x128xf32, #tpu.memory_space<vmem>>) dst(%dma_wait3A_30 : memref<80x128xf32, #tpu.memory_space<vmem_shared>>)
      tpu.yield
    }) : () -> ()
    %add3A_13 = arith.constant 400 : i32
    %add3A_14 = arith.addi %mul3A_2, %add3A_13 : i32
    "tpu.region"() ({
      %run_scoped3A = tpu.sem_alloc : memref<!tpu.dma_semaphore, #tpu.memory_space<semaphore_mem>>
      %dma_start3A = arith.constant 0 : i32
      %dma_start3A_25 = tpu.memref_slice %arg10[%add3A_14, %dma_start3A] : memref<10240x128xf32, #tpu.memory_space<vmem_shared>> -> memref<80x128xf32, #tpu.memory_space<vmem_shared>>
      %dma_start3A_26 = arith.constant 0 : i32
      %dma_start3A_27 = tpu.memref_slice %arg10[%add3A_14, %dma_start3A_26] : memref<10240x128xf32, #tpu.memory_space<vmem_shared>> -> memref<80x128xf32, #tpu.memory_space<vmem_shared>>
      tpu.enqueue_dma source(%arg9 : memref<80x128xf32, #tpu.memory_space<vmem>>) target(%dma_start3A_27 : memref<80x128xf32, #tpu.memory_space<vmem_shared>>) target_semaphore(%run_scoped3A : memref<!tpu.dma_semaphore, #tpu.memory_space<semaphore_mem>>)
      %dma_wait3A = arith.constant 0 : i32
      %dma_wait3A_28 = tpu.memref_slice %arg10[%add3A_14, %dma_wait3A] : memref<10240x128xf32, #tpu.memory_space<vmem_shared>> -> memref<80x128xf32, #tpu.memory_space<vmem_shared>>
      %dma_wait3A_29 = arith.constant 0 : i32
      %dma_wait3A_30 = tpu.memref_slice %arg10[%add3A_14, %dma_wait3A_29] : memref<10240x128xf32, #tpu.memory_space<vmem_shared>> -> memref<80x128xf32, #tpu.memory_space<vmem_shared>>
      tpu.wait_dma2 semaphore(%run_scoped3A : memref<!tpu.dma_semaphore, #tpu.memory_space<semaphore_mem>>) src(%arg9 : memref<80x128xf32, #tpu.memory_space<vmem>>) dst(%dma_wait3A_30 : memref<80x128xf32, #tpu.memory_space<vmem_shared>>)
      tpu.yield
    }) : () -> ()
    %add3A_15 = arith.constant 480 : i32
    %add3A_16 = arith.addi %mul3A_2, %add3A_15 : i32
    "tpu.region"() ({
      %run_scoped3A = tpu.sem_alloc : memref<!tpu.dma_semaphore, #tpu.memory_space<semaphore_mem>>
      %dma_start3A = arith.constant 0 : i32
      %dma_start3A_25 = tpu.memref_slice %arg10[%add3A_16, %dma_start3A] : memref<10240x128xf32, #tpu.memory_space<vmem_shared>> -> memref<80x128xf32, #tpu.memory_space<vmem_shared>>
      %dma_start3A_26 = arith.constant 0 : i32
      %dma_start3A_27 = tpu.memref_slice %arg10[%add3A_16, %dma_start3A_26] : memref<10240x128xf32, #tpu.memory_space<vmem_shared>> -> memref<80x128xf32, #tpu.memory_space<vmem_shared>>
      tpu.enqueue_dma source(%arg9 : memref<80x128xf32, #tpu.memory_space<vmem>>) target(%dma_start3A_27 : memref<80x128xf32, #tpu.memory_space<vmem_shared>>) target_semaphore(%run_scoped3A : memref<!tpu.dma_semaphore, #tpu.memory_space<semaphore_mem>>)
      %dma_wait3A = arith.constant 0 : i32
      %dma_wait3A_28 = tpu.memref_slice %arg10[%add3A_16, %dma_wait3A] : memref<10240x128xf32, #tpu.memory_space<vmem_shared>> -> memref<80x128xf32, #tpu.memory_space<vmem_shared>>
      %dma_wait3A_29 = arith.constant 0 : i32
      %dma_wait3A_30 = tpu.memref_slice %arg10[%add3A_16, %dma_wait3A_29] : memref<10240x128xf32, #tpu.memory_space<vmem_shared>> -> memref<80x128xf32, #tpu.memory_space<vmem_shared>>
      tpu.wait_dma2 semaphore(%run_scoped3A : memref<!tpu.dma_semaphore, #tpu.memory_space<semaphore_mem>>) src(%arg9 : memref<80x128xf32, #tpu.memory_space<vmem>>) dst(%dma_wait3A_30 : memref<80x128xf32, #tpu.memory_space<vmem_shared>>)
      tpu.yield
    }) : () -> ()
    %add3A_17 = arith.constant 560 : i32
    %add3A_18 = arith.addi %mul3A_2, %add3A_17 : i32
    "tpu.region"() ({
      %run_scoped3A = tpu.sem_alloc : memref<!tpu.dma_semaphore, #tpu.memory_space<semaphore_mem>>
      %dma_start3A = arith.constant 0 : i32
      %dma_start3A_25 = tpu.memref_slice %arg10[%add3A_18, %dma_start3A] : memref<10240x128xf32, #tpu.memory_space<vmem_shared>> -> memref<80x128xf32, #tpu.memory_space<vmem_shared>>
      %dma_start3A_26 = arith.constant 0 : i32
      %dma_start3A_27 = tpu.memref_slice %arg10[%add3A_18, %dma_start3A_26] : memref<10240x128xf32, #tpu.memory_space<vmem_shared>> -> memref<80x128xf32, #tpu.memory_space<vmem_shared>>
      tpu.enqueue_dma source(%arg9 : memref<80x128xf32, #tpu.memory_space<vmem>>) target(%dma_start3A_27 : memref<80x128xf32, #tpu.memory_space<vmem_shared>>) target_semaphore(%run_scoped3A : memref<!tpu.dma_semaphore, #tpu.memory_space<semaphore_mem>>)
      %dma_wait3A = arith.constant 0 : i32
      %dma_wait3A_28 = tpu.memref_slice %arg10[%add3A_18, %dma_wait3A] : memref<10240x128xf32, #tpu.memory_space<vmem_shared>> -> memref<80x128xf32, #tpu.memory_space<vmem_shared>>
      %dma_wait3A_29 = arith.constant 0 : i32
      %dma_wait3A_30 = tpu.memref_slice %arg10[%add3A_18, %dma_wait3A_29] : memref<10240x128xf32, #tpu.memory_space<vmem_shared>> -> memref<80x128xf32, #tpu.memory_space<vmem_shared>>
      tpu.wait_dma2 semaphore(%run_scoped3A : memref<!tpu.dma_semaphore, #tpu.memory_space<semaphore_mem>>) src(%arg9 : memref<80x128xf32, #tpu.memory_space<vmem>>) dst(%dma_wait3A_30 : memref<80x128xf32, #tpu.memory_space<vmem_shared>>)
      tpu.yield
    }) : () -> ()
    %barrier3A = arith.constant 0 : index
    tpu.barrier barrier_id(%barrier3A)
    %scan3A = arith.constant 0 : i32
    %scan3A_19 = arith.constant 0 : i32
    %scan3A_20 = arith.constant 125 : i32
    %scan3A_21 = arith.addi %scan3A_19, %scan3A_20 : i32
    %scan3A_22 = arith.constant 1 : i32
    scf.for %scan3A_25 = %scan3A_19 to %scan3A_21 step %scan3A_22  : i32 {
      %dma_start3A = arith.constant 0 : i32
      %dma_start3A_26 = tpu.memref_slice %arg7[%scan3A_25, %dma_start3A] : memref<125x80xi32, #tpu.memory_space<vmem>> -> memref<1x80xi32, #tpu.memory_space<vmem>>
      %dma_start3A_27 = tpu.memref_squeeze %dma_start3A_26 : memref<1x80xi32, #tpu.memory_space<vmem>> -> memref<80xi32, #tpu.memory_space<vmem>>
      %dma_start3A_28 = arith.constant 0 : i32
      %dma_start3A_29 = arith.constant 0 : i32
      %dma_start3A_30 = tpu.memref_slice %arg2[%dma_start3A_28, %dma_start3A_29] : memref<10000x128xf32, #tpu.memory_space<hbm>> -> memref<10000x128xf32, #tpu.memory_space<hbm>>
      tpu.enqueue_indirect_dma source(%dma_start3A_30 : memref<10000x128xf32, #tpu.memory_space<hbm>>) target(%arg9 : memref<80x128xf32, #tpu.memory_space<vmem>>) offsets(%dma_start3A_27 : memref<80xi32, #tpu.memory_space<vmem>>) semaphore(%arg11 : memref<!tpu.dma_semaphore, #tpu.memory_space<semaphore_mem>>)
      %dma_wait3A = arith.constant 0 : i32
      %dma_wait3A_31 = tpu.memref_slice %arg7[%scan3A_25, %dma_wait3A] : memref<125x80xi32, #tpu.memory_space<vmem>> -> memref<1x80xi32, #tpu.memory_space<vmem>>
      %dma_wait3A_32 = tpu.memref_squeeze %dma_wait3A_31 : memref<1x80xi32, #tpu.memory_space<vmem>> -> memref<80xi32, #tpu.memory_space<vmem>>
      %dma_wait3A_33 = arith.constant 0 : i32
      %dma_wait3A_34 = arith.constant 0 : i32
      %dma_wait3A_35 = tpu.memref_slice %arg2[%dma_wait3A_33, %dma_wait3A_34] : memref<10000x128xf32, #tpu.memory_space<hbm>> -> memref<10000x128xf32, #tpu.memory_space<hbm>>
      tpu.wait_indirect_dma semaphore(%arg11 : memref<!tpu.dma_semaphore, #tpu.memory_space<semaphore_mem>>) src(%dma_wait3A_35 : memref<10000x128xf32, #tpu.memory_space<hbm>>) dst(%arg9 : memref<80x128xf32, #tpu.memory_space<vmem>>)
      "tpu.region"() ({
        %run_scoped3A = tpu.sem_alloc : memref<!tpu.dma_semaphore, #tpu.memory_space<semaphore_mem>>
        %dma_start3A_36 = arith.constant 0 : i32
        %dma_start3A_37 = tpu.memref_slice %arg8[%scan3A_25, %dma_start3A_36] : memref<125x80xi32, #tpu.memory_space<vmem>> -> memref<1x80xi32, #tpu.memory_space<vmem>>
        %dma_start3A_38 = tpu.memref_squeeze %dma_start3A_37 : memref<1x80xi32, #tpu.memory_space<vmem>> -> memref<80xi32, #tpu.memory_space<vmem>>
        %dma_start3A_39 = arith.constant 0 : i32
        %dma_start3A_40 = arith.constant 0 : i32
        %dma_start3A_41 = tpu.memref_slice %arg10[%dma_start3A_39, %dma_start3A_40] : memref<10240x128xf32, #tpu.memory_space<vmem_shared>> -> memref<10240x128xf32, #tpu.memory_space<vmem_shared>>
        tpu.enqueue_indirect_dma source(%arg9 : memref<80x128xf32, #tpu.memory_space<vmem>>) target(%dma_start3A_41 : memref<10240x128xf32, #tpu.memory_space<vmem_shared>>) offsets(%dma_start3A_38 : memref<80xi32, #tpu.memory_space<vmem>>) semaphore(%run_scoped3A : memref<!tpu.dma_semaphore, #tpu.memory_space<semaphore_mem>>) {add = true}
        %dma_wait3A_42 = arith.constant 0 : i32
        %dma_wait3A_43 = tpu.memref_slice %arg8[%scan3A_25, %dma_wait3A_42] : memref<125x80xi32, #tpu.memory_space<vmem>> -> memref<1x80xi32, #tpu.memory_space<vmem>>
        %dma_wait3A_44 = tpu.memref_squeeze %dma_wait3A_43 : memref<1x80xi32, #tpu.memory_space<vmem>> -> memref<80xi32, #tpu.memory_space<vmem>>
        %dma_wait3A_45 = arith.constant 0 : i32
        %dma_wait3A_46 = arith.constant 0 : i32
        %dma_wait3A_47 = tpu.memref_slice %arg10[%dma_wait3A_45, %dma_wait3A_46] : memref<10240x128xf32, #tpu.memory_space<vmem_shared>> -> memref<10240x128xf32, #tpu.memory_space<vmem_shared>>
        tpu.wait_indirect_dma semaphore(%run_scoped3A : memref<!tpu.dma_semaphore, #tpu.memory_space<semaphore_mem>>) src(%arg9 : memref<80x128xf32, #tpu.memory_space<vmem>>) dst(%dma_wait3A_47 : memref<10240x128xf32, #tpu.memory_space<vmem_shared>>)
        tpu.yield
      }) : () -> ()
    }
    %scan3A_23 = arith.constant 125 : i32
    %barrier3A_24 = arith.constant 0 : index
    tpu.barrier barrier_id(%barrier3A_24)
    "tpu.region"() ({
      %run_scoped3A = tpu.sem_alloc : memref<!tpu.dma_semaphore, #tpu.memory_space<semaphore_mem>>
      %dma_start3A = arith.constant 0 : i32
      %dma_start3A_25 = tpu.memref_slice %arg6[%arg0, %mul3A_2, %dma_start3A] : memref<2x10240x128xf32, #tpu.memory_space<hbm>> -> memref<1x640x128xf32, #tpu.memory_space<hbm>>
      %dma_start3A_26 = tpu.memref_squeeze %dma_start3A_25 : memref<1x640x128xf32, #tpu.memory_space<hbm>> -> memref<640x128xf32, #tpu.memory_space<hbm>>
      %dma_start3A_27 = arith.constant 0 : i32
      %dma_start3A_28 = tpu.memref_slice %arg10[%mul3A_2, %dma_start3A_27] : memref<10240x128xf32, #tpu.memory_space<vmem_shared>> -> memref<640x128xf32, #tpu.memory_space<vmem_shared>>
      tpu.enqueue_dma source(%dma_start3A_28 : memref<640x128xf32, #tpu.memory_space<vmem_shared>>) target(%dma_start3A_26 : memref<640x128xf32, #tpu.memory_space<hbm>>) target_semaphore(%run_scoped3A : memref<!tpu.dma_semaphore, #tpu.memory_space<semaphore_mem>>)
      %dma_wait3A = arith.constant 0 : i32
      %dma_wait3A_29 = tpu.memref_slice %arg6[%arg0, %mul3A_2, %dma_wait3A] : memref<2x10240x128xf32, #tpu.memory_space<hbm>> -> memref<1x640x128xf32, #tpu.memory_space<hbm>>
      %dma_wait3A_30 = tpu.memref_squeeze %dma_wait3A_29 : memref<1x640x128xf32, #tpu.memory_space<hbm>> -> memref<640x128xf32, #tpu.memory_space<hbm>>
      %dma_wait3A_31 = arith.constant 0 : i32
      %dma_wait3A_32 = tpu.memref_slice %arg10[%mul3A_2, %dma_wait3A_31] : memref<10240x128xf32, #tpu.memory_space<vmem_shared>> -> memref<640x128xf32, #tpu.memory_space<vmem_shared>>
      tpu.wait_dma2 semaphore(%run_scoped3A : memref<!tpu.dma_semaphore, #tpu.memory_space<semaphore_mem>>) src(%dma_wait3A_32 : memref<640x128xf32, #tpu.memory_space<vmem_shared>>) dst(%dma_wait3A_30 : memref<640x128xf32, #tpu.memory_space<hbm>>)
      tpu.yield
    }) : () -> ()
    return
  }
}

#map = affine_map<(d0, d1) -> (0, 0)>
#map1 = affine_map<(d0, d1) -> (0, 0, 0)>
module attributes {stable_mosaic.version = 14 : i64} {
  func.func @_spmm_body(%arg0: i32, %arg1: i32, %arg2: memref<10000x128xf32, #tpu.memory_space<hbm>>, %arg3: memref<32x125x80xi32, #tpu.memory_space<hbm>>, %arg4: memref<32x125x80xi32, #tpu.memory_space<hbm>>, %arg5: memref<80x128xf32, #tpu.memory_space<hbm>>, %arg6: memref<2x10240x128xf32, #tpu.memory_space<hbm>>, %arg7: memref<125x80xi32, #tpu.memory_space<vmem>>, %arg8: memref<125x80xi32, #tpu.memory_space<vmem>>, %arg9: memref<80x128xf32, #tpu.memory_space<vmem>>, %arg10: memref<10240x128xf32, #tpu.memory_space<vmem_shared>>, %arg11: memref<!tpu.dma_semaphore, #tpu.memory_space<semaphore_mem>>) attributes {dimension_semantics = [#tpu.dimension_semantics<core_parallel>, #tpu.dimension_semantics<subcore_parallel>], iteration_bounds = array<i64: 2, 16>, scalar_prefetch = 0 : i64, scratch_operands = 5 : i64, tpu.core_type = #tpu.core_type<sc_vector_subcore>, window_params = [{transform_indices = #map}, {transform_indices = #map1}, {transform_indices = #map1}, {transform_indices = #map}, {transform_indices = #map1}]} {
    %mul3A = arith.constant 16 : i32
    %mul3A_0 = arith.muli %arg0, %mul3A : i32
    %add3A = arith.addi %mul3A_0, %arg1 : i32
    "tpu.region"() ({
      %run_scoped3A = tpu.sem_alloc : memref<!tpu.dma_semaphore, #tpu.memory_space<semaphore_mem>>
      %dma_start3A = arith.constant 0 : i32
      %dma_start3A_25 = arith.constant 0 : i32
      %dma_start3A_26 = tpu.memref_slice %arg3[%add3A, %dma_start3A, %dma_start3A_25] : memref<32x125x80xi32, #tpu.memory_space<hbm>> -> memref<1x125x80xi32, #tpu.memory_space<hbm>>
      %dma_start3A_27 = tpu.memref_squeeze %dma_start3A_26 : memref<1x125x80xi32, #tpu.memory_space<hbm>> -> memref<125x80xi32, #tpu.memory_space<hbm>>
      %dma_start3A_28 = arith.constant 0 : i32
      %dma_start3A_29 = arith.constant 0 : i32
      %dma_start3A_30 = tpu.memref_slice %arg3[%add3A, %dma_start3A_28, %dma_start3A_29] : memref<32x125x80xi32, #tpu.memory_space<hbm>> -> memref<1x125x80xi32, #tpu.memory_space<hbm>>
      %dma_start3A_31 = tpu.memref_squeeze %dma_start3A_30 : memref<1x125x80xi32, #tpu.memory_space<hbm>> -> memref<125x80xi32, #tpu.memory_space<hbm>>
      tpu.enqueue_dma source(%dma_start3A_31 : memref<125x80xi32, #tpu.memory_space<hbm>>) target(%arg7 : memref<125x80xi32, #tpu.memory_space<vmem>>) target_semaphore(%run_scoped3A : memref<!tpu.dma_semaphore, #tpu.memory_space<semaphore_mem>>)
      %dma_wait3A = arith.constant 0 : i32
      %dma_wait3A_32 = arith.constant 0 : i32
      %dma_wait3A_33 = tpu.memref_slice %arg3[%add3A, %dma_wait3A, %dma_wait3A_32] : memref<32x125x80xi32, #tpu.memory_space<hbm>> -> memref<1x125x80xi32, #tpu.memory_space<hbm>>
      %dma_wait3A_34 = tpu.memref_squeeze %dma_wait3A_33 : memref<1x125x80xi32, #tpu.memory_space<hbm>> -> memref<125x80xi32, #tpu.memory_space<hbm>>
      %dma_wait3A_35 = arith.constant 0 : i32
      %dma_wait3A_36 = arith.constant 0 : i32
      %dma_wait3A_37 = tpu.memref_slice %arg3[%add3A, %dma_wait3A_35, %dma_wait3A_36] : memref<32x125x80xi32, #tpu.memory_space<hbm>> -> memref<1x125x80xi32, #tpu.memory_space<hbm>>
      %dma_wait3A_38 = tpu.memref_squeeze %dma_wait3A_37 : memref<1x125x80xi32, #tpu.memory_space<hbm>> -> memref<125x80xi32, #tpu.memory_space<hbm>>
      tpu.wait_dma2 semaphore(%run_scoped3A : memref<!tpu.dma_semaphore, #tpu.memory_space<semaphore_mem>>) src(%dma_wait3A_38 : memref<125x80xi32, #tpu.memory_space<hbm>>) dst(%arg7 : memref<125x80xi32, #tpu.memory_space<vmem>>)
      tpu.yield
    }) : () -> ()
    "tpu.region"() ({
      %run_scoped3A = tpu.sem_alloc : memref<!tpu.dma_semaphore, #tpu.memory_space<semaphore_mem>>
      %dma_start3A = arith.constant 0 : i32
      %dma_start3A_25 = arith.constant 0 : i32
      %dma_start3A_26 = tpu.memref_slice %arg4[%add3A, %dma_start3A, %dma_start3A_25] : memref<32x125x80xi32, #tpu.memory_space<hbm>> -> memref<1x125x80xi32, #tpu.memory_space<hbm>>
      %dma_start3A_27 = tpu.memref_squeeze %dma_start3A_26 : memref<1x125x80xi32, #tpu.memory_space<hbm>> -> memref<125x80xi32, #tpu.memory_space<hbm>>
      %dma_start3A_28 = arith.constant 0 : i32
      %dma_start3A_29 = arith.constant 0 : i32
      %dma_start3A_30 = tpu.memref_slice %arg4[%add3A, %dma_start3A_28, %dma_start3A_29] : memref<32x125x80xi32, #tpu.memory_space<hbm>> -> memref<1x125x80xi32, #tpu.memory_space<hbm>>
      %dma_start3A_31 = tpu.memref_squeeze %dma_start3A_30 : memref<1x125x80xi32, #tpu.memory_space<hbm>> -> memref<125x80xi32, #tpu.memory_space<hbm>>
      tpu.enqueue_dma source(%dma_start3A_31 : memref<125x80xi32, #tpu.memory_space<hbm>>) target(%arg8 : memref<125x80xi32, #tpu.memory_space<vmem>>) target_semaphore(%run_scoped3A : memref<!tpu.dma_semaphore, #tpu.memory_space<semaphore_mem>>)
      %dma_wait3A = arith.constant 0 : i32
      %dma_wait3A_32 = arith.constant 0 : i32
      %dma_wait3A_33 = tpu.memref_slice %arg4[%add3A, %dma_wait3A, %dma_wait3A_32] : memref<32x125x80xi32, #tpu.memory_space<hbm>> -> memref<1x125x80xi32, #tpu.memory_space<hbm>>
      %dma_wait3A_34 = tpu.memref_squeeze %dma_wait3A_33 : memref<1x125x80xi32, #tpu.memory_space<hbm>> -> memref<125x80xi32, #tpu.memory_space<hbm>>
      %dma_wait3A_35 = arith.constant 0 : i32
      %dma_wait3A_36 = arith.constant 0 : i32
      %dma_wait3A_37 = tpu.memref_slice %arg4[%add3A, %dma_wait3A_35, %dma_wait3A_36] : memref<32x125x80xi32, #tpu.memory_space<hbm>> -> memref<1x125x80xi32, #tpu.memory_space<hbm>>
      %dma_wait3A_38 = tpu.memref_squeeze %dma_wait3A_37 : memref<1x125x80xi32, #tpu.memory_space<hbm>> -> memref<125x80xi32, #tpu.memory_space<hbm>>
      tpu.wait_dma2 semaphore(%run_scoped3A : memref<!tpu.dma_semaphore, #tpu.memory_space<semaphore_mem>>) src(%dma_wait3A_38 : memref<125x80xi32, #tpu.memory_space<hbm>>) dst(%arg8 : memref<125x80xi32, #tpu.memory_space<vmem>>)
      tpu.yield
    }) : () -> ()
    "tpu.region"() ({
      %run_scoped3A = tpu.sem_alloc : memref<!tpu.dma_semaphore, #tpu.memory_space<semaphore_mem>>
      tpu.enqueue_dma source(%arg5 : memref<80x128xf32, #tpu.memory_space<hbm>>) target(%arg9 : memref<80x128xf32, #tpu.memory_space<vmem>>) target_semaphore(%run_scoped3A : memref<!tpu.dma_semaphore, #tpu.memory_space<semaphore_mem>>)
      tpu.wait_dma2 semaphore(%run_scoped3A : memref<!tpu.dma_semaphore, #tpu.memory_space<semaphore_mem>>) src(%arg5 : memref<80x128xf32, #tpu.memory_space<hbm>>) dst(%arg9 : memref<80x128xf32, #tpu.memory_space<vmem>>)
      tpu.yield
    }) : () -> ()
    %mul3A_1 = arith.constant 640 : i32
    %mul3A_2 = arith.muli %arg1, %mul3A_1 : i32
    %add3A_3 = arith.constant 0 : i32
    %add3A_4 = arith.addi %mul3A_2, %add3A_3 : i32
    "tpu.region"() ({
      %run_scoped3A = tpu.sem_alloc : memref<!tpu.dma_semaphore, #tpu.memory_space<semaphore_mem>>
      %dma_start3A = arith.constant 0 : i32
      %dma_start3A_25 = tpu.memref_slice %arg10[%add3A_4, %dma_start3A] : memref<10240x128xf32, #tpu.memory_space<vmem_shared>> -> memref<80x128xf32, #tpu.memory_space<vmem_shared>>
      %dma_start3A_26 = arith.constant 0 : i32
      %dma_start3A_27 = tpu.memref_slice %arg10[%add3A_4, %dma_start3A_26] : memref<10240x128xf32, #tpu.memory_space<vmem_shared>> -> memref<80x128xf32, #tpu.memory_space<vmem_shared>>
      tpu.enqueue_dma source(%arg9 : memref<80x128xf32, #tpu.memory_space<vmem>>) target(%dma_start3A_27 : memref<80x128xf32, #tpu.memory_space<vmem_shared>>) target_semaphore(%run_scoped3A : memref<!tpu.dma_semaphore, #tpu.memory_space<semaphore_mem>>)
      %dma_wait3A = arith.constant 0 : i32
      %dma_wait3A_28 = tpu.memref_slice %arg10[%add3A_4, %dma_wait3A] : memref<10240x128xf32, #tpu.memory_space<vmem_shared>> -> memref<80x128xf32, #tpu.memory_space<vmem_shared>>
      %dma_wait3A_29 = arith.constant 0 : i32
      %dma_wait3A_30 = tpu.memref_slice %arg10[%add3A_4, %dma_wait3A_29] : memref<10240x128xf32, #tpu.memory_space<vmem_shared>> -> memref<80x128xf32, #tpu.memory_space<vmem_shared>>
      tpu.wait_dma2 semaphore(%run_scoped3A : memref<!tpu.dma_semaphore, #tpu.memory_space<semaphore_mem>>) src(%arg9 : memref<80x128xf32, #tpu.memory_space<vmem>>) dst(%dma_wait3A_30 : memref<80x128xf32, #tpu.memory_space<vmem_shared>>)
      tpu.yield
    }) : () -> ()
    %add3A_5 = arith.constant 80 : i32
    %add3A_6 = arith.addi %mul3A_2, %add3A_5 : i32
    "tpu.region"() ({
      %run_scoped3A = tpu.sem_alloc : memref<!tpu.dma_semaphore, #tpu.memory_space<semaphore_mem>>
      %dma_start3A = arith.constant 0 : i32
      %dma_start3A_25 = tpu.memref_slice %arg10[%add3A_6, %dma_start3A] : memref<10240x128xf32, #tpu.memory_space<vmem_shared>> -> memref<80x128xf32, #tpu.memory_space<vmem_shared>>
      %dma_start3A_26 = arith.constant 0 : i32
      %dma_start3A_27 = tpu.memref_slice %arg10[%add3A_6, %dma_start3A_26] : memref<10240x128xf32, #tpu.memory_space<vmem_shared>> -> memref<80x128xf32, #tpu.memory_space<vmem_shared>>
      tpu.enqueue_dma source(%arg9 : memref<80x128xf32, #tpu.memory_space<vmem>>) target(%dma_start3A_27 : memref<80x128xf32, #tpu.memory_space<vmem_shared>>) target_semaphore(%run_scoped3A : memref<!tpu.dma_semaphore, #tpu.memory_space<semaphore_mem>>)
      %dma_wait3A = arith.constant 0 : i32
      %dma_wait3A_28 = tpu.memref_slice %arg10[%add3A_6, %dma_wait3A] : memref<10240x128xf32, #tpu.memory_space<vmem_shared>> -> memref<80x128xf32, #tpu.memory_space<vmem_shared>>
      %dma_wait3A_29 = arith.constant 0 : i32
      %dma_wait3A_30 = tpu.memref_slice %arg10[%add3A_6, %dma_wait3A_29] : memref<10240x128xf32, #tpu.memory_space<vmem_shared>> -> memref<80x128xf32, #tpu.memory_space<vmem_shared>>
      tpu.wait_dma2 semaphore(%run_scoped3A : memref<!tpu.dma_semaphore, #tpu.memory_space<semaphore_mem>>) src(%arg9 : memref<80x128xf32, #tpu.memory_space<vmem>>) dst(%dma_wait3A_30 : memref<80x128xf32, #tpu.memory_space<vmem_shared>>)
      tpu.yield
    }) : () -> ()
    %add3A_7 = arith.constant 160 : i32
    %add3A_8 = arith.addi %mul3A_2, %add3A_7 : i32
    "tpu.region"() ({
      %run_scoped3A = tpu.sem_alloc : memref<!tpu.dma_semaphore, #tpu.memory_space<semaphore_mem>>
      %dma_start3A = arith.constant 0 : i32
      %dma_start3A_25 = tpu.memref_slice %arg10[%add3A_8, %dma_start3A] : memref<10240x128xf32, #tpu.memory_space<vmem_shared>> -> memref<80x128xf32, #tpu.memory_space<vmem_shared>>
      %dma_start3A_26 = arith.constant 0 : i32
      %dma_start3A_27 = tpu.memref_slice %arg10[%add3A_8, %dma_start3A_26] : memref<10240x128xf32, #tpu.memory_space<vmem_shared>> -> memref<80x128xf32, #tpu.memory_space<vmem_shared>>
      tpu.enqueue_dma source(%arg9 : memref<80x128xf32, #tpu.memory_space<vmem>>) target(%dma_start3A_27 : memref<80x128xf32, #tpu.memory_space<vmem_shared>>) target_semaphore(%run_scoped3A : memref<!tpu.dma_semaphore, #tpu.memory_space<semaphore_mem>>)
      %dma_wait3A = arith.constant 0 : i32
      %dma_wait3A_28 = tpu.memref_slice %arg10[%add3A_8, %dma_wait3A] : memref<10240x128xf32, #tpu.memory_space<vmem_shared>> -> memref<80x128xf32, #tpu.memory_space<vmem_shared>>
      %dma_wait3A_29 = arith.constant 0 : i32
      %dma_wait3A_30 = tpu.memref_slice %arg10[%add3A_8, %dma_wait3A_29] : memref<10240x128xf32, #tpu.memory_space<vmem_shared>> -> memref<80x128xf32, #tpu.memory_space<vmem_shared>>
      tpu.wait_dma2 semaphore(%run_scoped3A : memref<!tpu.dma_semaphore, #tpu.memory_space<semaphore_mem>>) src(%arg9 : memref<80x128xf32, #tpu.memory_space<vmem>>) dst(%dma_wait3A_30 : memref<80x128xf32, #tpu.memory_space<vmem_shared>>)
      tpu.yield
    }) : () -> ()
    %add3A_9 = arith.constant 240 : i32
    %add3A_10 = arith.addi %mul3A_2, %add3A_9 : i32
    "tpu.region"() ({
      %run_scoped3A = tpu.sem_alloc : memref<!tpu.dma_semaphore, #tpu.memory_space<semaphore_mem>>
      %dma_start3A = arith.constant 0 : i32
      %dma_start3A_25 = tpu.memref_slice %arg10[%add3A_10, %dma_start3A] : memref<10240x128xf32, #tpu.memory_space<vmem_shared>> -> memref<80x128xf32, #tpu.memory_space<vmem_shared>>
      %dma_start3A_26 = arith.constant 0 : i32
      %dma_start3A_27 = tpu.memref_slice %arg10[%add3A_10, %dma_start3A_26] : memref<10240x128xf32, #tpu.memory_space<vmem_shared>> -> memref<80x128xf32, #tpu.memory_space<vmem_shared>>
      tpu.enqueue_dma source(%arg9 : memref<80x128xf32, #tpu.memory_space<vmem>>) target(%dma_start3A_27 : memref<80x128xf32, #tpu.memory_space<vmem_shared>>) target_semaphore(%run_scoped3A : memref<!tpu.dma_semaphore, #tpu.memory_space<semaphore_mem>>)
      %dma_wait3A = arith.constant 0 : i32
      %dma_wait3A_28 = tpu.memref_slice %arg10[%add3A_10, %dma_wait3A] : memref<10240x128xf32, #tpu.memory_space<vmem_shared>> -> memref<80x128xf32, #tpu.memory_space<vmem_shared>>
      %dma_wait3A_29 = arith.constant 0 : i32
      %dma_wait3A_30 = tpu.memref_slice %arg10[%add3A_10, %dma_wait3A_29] : memref<10240x128xf32, #tpu.memory_space<vmem_shared>> -> memref<80x128xf32, #tpu.memory_space<vmem_shared>>
      tpu.wait_dma2 semaphore(%run_scoped3A : memref<!tpu.dma_semaphore, #tpu.memory_space<semaphore_mem>>) src(%arg9 : memref<80x128xf32, #tpu.memory_space<vmem>>) dst(%dma_wait3A_30 : memref<80x128xf32, #tpu.memory_space<vmem_shared>>)
      tpu.yield
    }) : () -> ()
    %add3A_11 = arith.constant 320 : i32
    %add3A_12 = arith.addi %mul3A_2, %add3A_11 : i32
    "tpu.region"() ({
      %run_scoped3A = tpu.sem_alloc : memref<!tpu.dma_semaphore, #tpu.memory_space<semaphore_mem>>
      %dma_start3A = arith.constant 0 : i32
      %dma_start3A_25 = tpu.memref_slice %arg10[%add3A_12, %dma_start3A] : memref<10240x128xf32, #tpu.memory_space<vmem_shared>> -> memref<80x128xf32, #tpu.memory_space<vmem_shared>>
      %dma_start3A_26 = arith.constant 0 : i32
      %dma_start3A_27 = tpu.memref_slice %arg10[%add3A_12, %dma_start3A_26] : memref<10240x128xf32, #tpu.memory_space<vmem_shared>> -> memref<80x128xf32, #tpu.memory_space<vmem_shared>>
      tpu.enqueue_dma source(%arg9 : memref<80x128xf32, #tpu.memory_space<vmem>>) target(%dma_start3A_27 : memref<80x128xf32, #tpu.memory_space<vmem_shared>>) target_semaphore(%run_scoped3A : memref<!tpu.dma_semaphore, #tpu.memory_space<semaphore_mem>>)
      %dma_wait3A = arith.constant 0 : i32
      %dma_wait3A_28 = tpu.memref_slice %arg10[%add3A_12, %dma_wait3A] : memref<10240x128xf32, #tpu.memory_space<vmem_shared>> -> memref<80x128xf32, #tpu.memory_space<vmem_shared>>
      %dma_wait3A_29 = arith.constant 0 : i32
      %dma_wait3A_30 = tpu.memref_slice %arg10[%add3A_12, %dma_wait3A_29] : memref<10240x128xf32, #tpu.memory_space<vmem_shared>> -> memref<80x128xf32, #tpu.memory_space<vmem_shared>>
      tpu.wait_dma2 semaphore(%run_scoped3A : memref<!tpu.dma_semaphore, #tpu.memory_space<semaphore_mem>>) src(%arg9 : memref<80x128xf32, #tpu.memory_space<vmem>>) dst(%dma_wait3A_30 : memref<80x128xf32, #tpu.memory_space<vmem_shared>>)
      tpu.yield
    }) : () -> ()
    %add3A_13 = arith.constant 400 : i32
    %add3A_14 = arith.addi %mul3A_2, %add3A_13 : i32
    "tpu.region"() ({
      %run_scoped3A = tpu.sem_alloc : memref<!tpu.dma_semaphore, #tpu.memory_space<semaphore_mem>>
      %dma_start3A = arith.constant 0 : i32
      %dma_start3A_25 = tpu.memref_slice %arg10[%add3A_14, %dma_start3A] : memref<10240x128xf32, #tpu.memory_space<vmem_shared>> -> memref<80x128xf32, #tpu.memory_space<vmem_shared>>
      %dma_start3A_26 = arith.constant 0 : i32
      %dma_start3A_27 = tpu.memref_slice %arg10[%add3A_14, %dma_start3A_26] : memref<10240x128xf32, #tpu.memory_space<vmem_shared>> -> memref<80x128xf32, #tpu.memory_space<vmem_shared>>
      tpu.enqueue_dma source(%arg9 : memref<80x128xf32, #tpu.memory_space<vmem>>) target(%dma_start3A_27 : memref<80x128xf32, #tpu.memory_space<vmem_shared>>) target_semaphore(%run_scoped3A : memref<!tpu.dma_semaphore, #tpu.memory_space<semaphore_mem>>)
      %dma_wait3A = arith.constant 0 : i32
      %dma_wait3A_28 = tpu.memref_slice %arg10[%add3A_14, %dma_wait3A] : memref<10240x128xf32, #tpu.memory_space<vmem_shared>> -> memref<80x128xf32, #tpu.memory_space<vmem_shared>>
      %dma_wait3A_29 = arith.constant 0 : i32
      %dma_wait3A_30 = tpu.memref_slice %arg10[%add3A_14, %dma_wait3A_29] : memref<10240x128xf32, #tpu.memory_space<vmem_shared>> -> memref<80x128xf32, #tpu.memory_space<vmem_shared>>
      tpu.wait_dma2 semaphore(%run_scoped3A : memref<!tpu.dma_semaphore, #tpu.memory_space<semaphore_mem>>) src(%arg9 : memref<80x128xf32, #tpu.memory_space<vmem>>) dst(%dma_wait3A_30 : memref<80x128xf32, #tpu.memory_space<vmem_shared>>)
      tpu.yield
    }) : () -> ()
    %add3A_15 = arith.constant 480 : i32
    %add3A_16 = arith.addi %mul3A_2, %add3A_15 : i32
    "tpu.region"() ({
      %run_scoped3A = tpu.sem_alloc : memref<!tpu.dma_semaphore, #tpu.memory_space<semaphore_mem>>
      %dma_start3A = arith.constant 0 : i32
      %dma_start3A_25 = tpu.memref_slice %arg10[%add3A_16, %dma_start3A] : memref<10240x128xf32, #tpu.memory_space<vmem_shared>> -> memref<80x128xf32, #tpu.memory_space<vmem_shared>>
      %dma_start3A_26 = arith.constant 0 : i32
      %dma_start3A_27 = tpu.memref_slice %arg10[%add3A_16, %dma_start3A_26] : memref<10240x128xf32, #tpu.memory_space<vmem_shared>> -> memref<80x128xf32, #tpu.memory_space<vmem_shared>>
      tpu.enqueue_dma source(%arg9 : memref<80x128xf32, #tpu.memory_space<vmem>>) target(%dma_start3A_27 : memref<80x128xf32, #tpu.memory_space<vmem_shared>>) target_semaphore(%run_scoped3A : memref<!tpu.dma_semaphore, #tpu.memory_space<semaphore_mem>>)
      %dma_wait3A = arith.constant 0 : i32
      %dma_wait3A_28 = tpu.memref_slice %arg10[%add3A_16, %dma_wait3A] : memref<10240x128xf32, #tpu.memory_space<vmem_shared>> -> memref<80x128xf32, #tpu.memory_space<vmem_shared>>
      %dma_wait3A_29 = arith.constant 0 : i32
      %dma_wait3A_30 = tpu.memref_slice %arg10[%add3A_16, %dma_wait3A_29] : memref<10240x128xf32, #tpu.memory_space<vmem_shared>> -> memref<80x128xf32, #tpu.memory_space<vmem_shared>>
      tpu.wait_dma2 semaphore(%run_scoped3A : memref<!tpu.dma_semaphore, #tpu.memory_space<semaphore_mem>>) src(%arg9 : memref<80x128xf32, #tpu.memory_space<vmem>>) dst(%dma_wait3A_30 : memref<80x128xf32, #tpu.memory_space<vmem_shared>>)
      tpu.yield
    }) : () -> ()
    %add3A_17 = arith.constant 560 : i32
    %add3A_18 = arith.addi %mul3A_2, %add3A_17 : i32
    "tpu.region"() ({
      %run_scoped3A = tpu.sem_alloc : memref<!tpu.dma_semaphore, #tpu.memory_space<semaphore_mem>>
      %dma_start3A = arith.constant 0 : i32
      %dma_start3A_25 = tpu.memref_slice %arg10[%add3A_18, %dma_start3A] : memref<10240x128xf32, #tpu.memory_space<vmem_shared>> -> memref<80x128xf32, #tpu.memory_space<vmem_shared>>
      %dma_start3A_26 = arith.constant 0 : i32
      %dma_start3A_27 = tpu.memref_slice %arg10[%add3A_18, %dma_start3A_26] : memref<10240x128xf32, #tpu.memory_space<vmem_shared>> -> memref<80x128xf32, #tpu.memory_space<vmem_shared>>
      tpu.enqueue_dma source(%arg9 : memref<80x128xf32, #tpu.memory_space<vmem>>) target(%dma_start3A_27 : memref<80x128xf32, #tpu.memory_space<vmem_shared>>) target_semaphore(%run_scoped3A : memref<!tpu.dma_semaphore, #tpu.memory_space<semaphore_mem>>)
      %dma_wait3A = arith.constant 0 : i32
      %dma_wait3A_28 = tpu.memref_slice %arg10[%add3A_18, %dma_wait3A] : memref<10240x128xf32, #tpu.memory_space<vmem_shared>> -> memref<80x128xf32, #tpu.memory_space<vmem_shared>>
      %dma_wait3A_29 = arith.constant 0 : i32
      %dma_wait3A_30 = tpu.memref_slice %arg10[%add3A_18, %dma_wait3A_29] : memref<10240x128xf32, #tpu.memory_space<vmem_shared>> -> memref<80x128xf32, #tpu.memory_space<vmem_shared>>
      tpu.wait_dma2 semaphore(%run_scoped3A : memref<!tpu.dma_semaphore, #tpu.memory_space<semaphore_mem>>) src(%arg9 : memref<80x128xf32, #tpu.memory_space<vmem>>) dst(%dma_wait3A_30 : memref<80x128xf32, #tpu.memory_space<vmem_shared>>)
      tpu.yield
    }) : () -> ()
    %barrier3A = arith.constant 0 : index
    tpu.barrier barrier_id(%barrier3A)
    %scan3A = arith.constant 0 : i32
    %scan3A_19 = arith.constant 0 : i32
    %scan3A_20 = arith.constant 125 : i32
    %scan3A_21 = arith.addi %scan3A_19, %scan3A_20 : i32
    %scan3A_22 = arith.constant 1 : i32
    scf.for %scan3A_25 = %scan3A_19 to %scan3A_21 step %scan3A_22  : i32 {
      %dma_start3A = arith.constant 0 : i32
      %dma_start3A_26 = tpu.memref_slice %arg7[%scan3A_25, %dma_start3A] : memref<125x80xi32, #tpu.memory_space<vmem>> -> memref<1x80xi32, #tpu.memory_space<vmem>>
      %dma_start3A_27 = tpu.memref_squeeze %dma_start3A_26 : memref<1x80xi32, #tpu.memory_space<vmem>> -> memref<80xi32, #tpu.memory_space<vmem>>
      %dma_start3A_28 = arith.constant 0 : i32
      %dma_start3A_29 = arith.constant 0 : i32
      %dma_start3A_30 = tpu.memref_slice %arg2[%dma_start3A_28, %dma_start3A_29] : memref<10000x128xf32, #tpu.memory_space<hbm>> -> memref<10000x128xf32, #tpu.memory_space<hbm>>
      tpu.enqueue_indirect_dma source(%dma_start3A_30 : memref<10000x128xf32, #tpu.memory_space<hbm>>) target(%arg9 : memref<80x128xf32, #tpu.memory_space<vmem>>) offsets(%dma_start3A_27 : memref<80xi32, #tpu.memory_space<vmem>>) semaphore(%arg11 : memref<!tpu.dma_semaphore, #tpu.memory_space<semaphore_mem>>)
      %dma_wait3A = arith.constant 0 : i32
      %dma_wait3A_31 = tpu.memref_slice %arg7[%scan3A_25, %dma_wait3A] : memref<125x80xi32, #tpu.memory_space<vmem>> -> memref<1x80xi32, #tpu.memory_space<vmem>>
      %dma_wait3A_32 = tpu.memref_squeeze %dma_wait3A_31 : memref<1x80xi32, #tpu.memory_space<vmem>> -> memref<80xi32, #tpu.memory_space<vmem>>
      %dma_wait3A_33 = arith.constant 0 : i32
      %dma_wait3A_34 = arith.constant 0 : i32
      %dma_wait3A_35 = tpu.memref_slice %arg2[%dma_wait3A_33, %dma_wait3A_34] : memref<10000x128xf32, #tpu.memory_space<hbm>> -> memref<10000x128xf32, #tpu.memory_space<hbm>>
      tpu.wait_indirect_dma semaphore(%arg11 : memref<!tpu.dma_semaphore, #tpu.memory_space<semaphore_mem>>) src(%dma_wait3A_35 : memref<10000x128xf32, #tpu.memory_space<hbm>>) dst(%arg9 : memref<80x128xf32, #tpu.memory_space<vmem>>)
      "tpu.region"() ({
        %run_scoped3A = tpu.sem_alloc : memref<!tpu.dma_semaphore, #tpu.memory_space<semaphore_mem>>
        %dma_start3A_36 = arith.constant 0 : i32
        %dma_start3A_37 = tpu.memref_slice %arg8[%scan3A_25, %dma_start3A_36] : memref<125x80xi32, #tpu.memory_space<vmem>> -> memref<1x80xi32, #tpu.memory_space<vmem>>
        %dma_start3A_38 = tpu.memref_squeeze %dma_start3A_37 : memref<1x80xi32, #tpu.memory_space<vmem>> -> memref<80xi32, #tpu.memory_space<vmem>>
        %dma_start3A_39 = arith.constant 0 : i32
        %dma_start3A_40 = arith.constant 0 : i32
        %dma_start3A_41 = tpu.memref_slice %arg10[%dma_start3A_39, %dma_start3A_40] : memref<10240x128xf32, #tpu.memory_space<vmem_shared>> -> memref<10240x128xf32, #tpu.memory_space<vmem_shared>>
        tpu.enqueue_indirect_dma source(%arg9 : memref<80x128xf32, #tpu.memory_space<vmem>>) target(%dma_start3A_41 : memref<10240x128xf32, #tpu.memory_space<vmem_shared>>) offsets(%dma_start3A_38 : memref<80xi32, #tpu.memory_space<vmem>>) semaphore(%run_scoped3A : memref<!tpu.dma_semaphore, #tpu.memory_space<semaphore_mem>>) {add = true}
        %dma_wait3A_42 = arith.constant 0 : i32
        %dma_wait3A_43 = tpu.memref_slice %arg8[%scan3A_25, %dma_wait3A_42] : memref<125x80xi32, #tpu.memory_space<vmem>> -> memref<1x80xi32, #tpu.memory_space<vmem>>
        %dma_wait3A_44 = tpu.memref_squeeze %dma_wait3A_43 : memref<1x80xi32, #tpu.memory_space<vmem>> -> memref<80xi32, #tpu.memory_space<vmem>>
        %dma_wait3A_45 = arith.constant 0 : i32
        %dma_wait3A_46 = arith.constant 0 : i32
        %dma_wait3A_47 = tpu.memref_slice %arg10[%dma_wait3A_45, %dma_wait3A_46] : memref<10240x128xf32, #tpu.memory_space<vmem_shared>> -> memref<10240x128xf32, #tpu.memory_space<vmem_shared>>
        tpu.wait_indirect_dma semaphore(%run_scoped3A : memref<!tpu.dma_semaphore, #tpu.memory_space<semaphore_mem>>) src(%arg9 : memref<80x128xf32, #tpu.memory_space<vmem>>) dst(%dma_wait3A_47 : memref<10240x128xf32, #tpu.memory_space<vmem_shared>>)
        tpu.yield
      }) : () -> ()
    }
    %scan3A_23 = arith.constant 125 : i32
    %barrier3A_24 = arith.constant 0 : index
    tpu.barrier barrier_id(%barrier3A_24)
    "tpu.region"() ({
      %run_scoped3A = tpu.sem_alloc : memref<!tpu.dma_semaphore, #tpu.memory_space<semaphore_mem>>
      %dma_start3A = arith.constant 0 : i32
      %dma_start3A_25 = tpu.memref_slice %arg6[%arg0, %mul3A_2, %dma_start3A] : memref<2x10240x128xf32, #tpu.memory_space<hbm>> -> memref<1x640x128xf32, #tpu.memory_space<hbm>>
      %dma_start3A_26 = tpu.memref_squeeze %dma_start3A_25 : memref<1x640x128xf32, #tpu.memory_space<hbm>> -> memref<640x128xf32, #tpu.memory_space<hbm>>
      %dma_start3A_27 = arith.constant 0 : i32
      %dma_start3A_28 = tpu.memref_slice %arg10[%mul3A_2, %dma_start3A_27] : memref<10240x128xf32, #tpu.memory_space<vmem_shared>> -> memref<640x128xf32, #tpu.memory_space<vmem_shared>>
      tpu.enqueue_dma source(%dma_start3A_28 : memref<640x128xf32, #tpu.memory_space<vmem_shared>>) target(%dma_start3A_26 : memref<640x128xf32, #tpu.memory_space<hbm>>) target_semaphore(%run_scoped3A : memref<!tpu.dma_semaphore, #tpu.memory_space<semaphore_mem>>)
      %dma_wait3A = arith.constant 0 : i32
      %dma_wait3A_29 = tpu.memref_slice %arg6[%arg0, %mul3A_2, %dma_wait3A] : memref<2x10240x128xf32, #tpu.memory_space<hbm>> -> memref<1x640x128xf32, #tpu.memory_space<hbm>>
      %dma_wait3A_30 = tpu.memref_squeeze %dma_wait3A_29 : memref<1x640x128xf32, #tpu.memory_space<hbm>> -> memref<640x128xf32, #tpu.memory_space<hbm>>
      %dma_wait3A_31 = arith.constant 0 : i32
      %dma_wait3A_32 = tpu.memref_slice %arg10[%mul3A_2, %dma_wait3A_31] : memref<10240x128xf32, #tpu.memory_space<vmem_shared>> -> memref<640x128xf32, #tpu.memory_space<vmem_shared>>
      tpu.wait_dma2 semaphore(%run_scoped3A : memref<!tpu.dma_semaphore, #tpu.memory_space<semaphore_mem>>) src(%dma_wait3A_32 : memref<640x128xf32, #tpu.memory_space<vmem_shared>>) dst(%dma_wait3A_30 : memref<640x128xf32, #tpu.memory_space<hbm>>)
      tpu.yield
    }) : () -> ()
    return
  }
}

#map = affine_map<(d0, d1) -> (0, 0)>
#map1 = affine_map<(d0, d1) -> (0, 0, 0)>
module attributes {stable_mosaic.version = 14 : i64} {
  func.func @_spmm_body(%arg0: i32, %arg1: i32, %arg2: memref<10000x128xf32, #tpu.memory_space<hbm>>, %arg3: memref<32x125x80xi32, #tpu.memory_space<hbm>>, %arg4: memref<32x125x80xi32, #tpu.memory_space<hbm>>, %arg5: memref<80x128xf32, #tpu.memory_space<hbm>>, %arg6: memref<2x10240x128xf32, #tpu.memory_space<hbm>>, %arg7: memref<125x80xi32, #tpu.memory_space<vmem>>, %arg8: memref<125x80xi32, #tpu.memory_space<vmem>>, %arg9: memref<80x128xf32, #tpu.memory_space<vmem>>, %arg10: memref<10240x128xf32, #tpu.memory_space<vmem_shared>>, %arg11: memref<!tpu.dma_semaphore, #tpu.memory_space<semaphore_mem>>) attributes {dimension_semantics = [#tpu.dimension_semantics<core_parallel>, #tpu.dimension_semantics<subcore_parallel>], iteration_bounds = array<i64: 2, 16>, scalar_prefetch = 0 : i64, scratch_operands = 5 : i64, tpu.core_type = #tpu.core_type<sc_vector_subcore>, window_params = [{transform_indices = #map}, {transform_indices = #map1}, {transform_indices = #map1}, {transform_indices = #map}, {transform_indices = #map1}]} {
    %mul3A = arith.constant 16 : i32
    %mul3A_0 = arith.muli %arg0, %mul3A : i32
    %add3A = arith.addi %mul3A_0, %arg1 : i32
    "tpu.region"() ({
      %run_scoped3A = tpu.sem_alloc : memref<!tpu.dma_semaphore, #tpu.memory_space<semaphore_mem>>
      %dma_start3A = arith.constant 0 : i32
      %dma_start3A_25 = arith.constant 0 : i32
      %dma_start3A_26 = tpu.memref_slice %arg3[%add3A, %dma_start3A, %dma_start3A_25] : memref<32x125x80xi32, #tpu.memory_space<hbm>> -> memref<1x125x80xi32, #tpu.memory_space<hbm>>
      %dma_start3A_27 = tpu.memref_squeeze %dma_start3A_26 : memref<1x125x80xi32, #tpu.memory_space<hbm>> -> memref<125x80xi32, #tpu.memory_space<hbm>>
      %dma_start3A_28 = arith.constant 0 : i32
      %dma_start3A_29 = arith.constant 0 : i32
      %dma_start3A_30 = tpu.memref_slice %arg3[%add3A, %dma_start3A_28, %dma_start3A_29] : memref<32x125x80xi32, #tpu.memory_space<hbm>> -> memref<1x125x80xi32, #tpu.memory_space<hbm>>
      %dma_start3A_31 = tpu.memref_squeeze %dma_start3A_30 : memref<1x125x80xi32, #tpu.memory_space<hbm>> -> memref<125x80xi32, #tpu.memory_space<hbm>>
      tpu.enqueue_dma source(%dma_start3A_31 : memref<125x80xi32, #tpu.memory_space<hbm>>) target(%arg7 : memref<125x80xi32, #tpu.memory_space<vmem>>) target_semaphore(%run_scoped3A : memref<!tpu.dma_semaphore, #tpu.memory_space<semaphore_mem>>)
      %dma_wait3A = arith.constant 0 : i32
      %dma_wait3A_32 = arith.constant 0 : i32
      %dma_wait3A_33 = tpu.memref_slice %arg3[%add3A, %dma_wait3A, %dma_wait3A_32] : memref<32x125x80xi32, #tpu.memory_space<hbm>> -> memref<1x125x80xi32, #tpu.memory_space<hbm>>
      %dma_wait3A_34 = tpu.memref_squeeze %dma_wait3A_33 : memref<1x125x80xi32, #tpu.memory_space<hbm>> -> memref<125x80xi32, #tpu.memory_space<hbm>>
      %dma_wait3A_35 = arith.constant 0 : i32
      %dma_wait3A_36 = arith.constant 0 : i32
      %dma_wait3A_37 = tpu.memref_slice %arg3[%add3A, %dma_wait3A_35, %dma_wait3A_36] : memref<32x125x80xi32, #tpu.memory_space<hbm>> -> memref<1x125x80xi32, #tpu.memory_space<hbm>>
      %dma_wait3A_38 = tpu.memref_squeeze %dma_wait3A_37 : memref<1x125x80xi32, #tpu.memory_space<hbm>> -> memref<125x80xi32, #tpu.memory_space<hbm>>
      tpu.wait_dma2 semaphore(%run_scoped3A : memref<!tpu.dma_semaphore, #tpu.memory_space<semaphore_mem>>) src(%dma_wait3A_38 : memref<125x80xi32, #tpu.memory_space<hbm>>) dst(%arg7 : memref<125x80xi32, #tpu.memory_space<vmem>>)
      tpu.yield
    }) : () -> ()
    "tpu.region"() ({
      %run_scoped3A = tpu.sem_alloc : memref<!tpu.dma_semaphore, #tpu.memory_space<semaphore_mem>>
      %dma_start3A = arith.constant 0 : i32
      %dma_start3A_25 = arith.constant 0 : i32
      %dma_start3A_26 = tpu.memref_slice %arg4[%add3A, %dma_start3A, %dma_start3A_25] : memref<32x125x80xi32, #tpu.memory_space<hbm>> -> memref<1x125x80xi32, #tpu.memory_space<hbm>>
      %dma_start3A_27 = tpu.memref_squeeze %dma_start3A_26 : memref<1x125x80xi32, #tpu.memory_space<hbm>> -> memref<125x80xi32, #tpu.memory_space<hbm>>
      %dma_start3A_28 = arith.constant 0 : i32
      %dma_start3A_29 = arith.constant 0 : i32
      %dma_start3A_30 = tpu.memref_slice %arg4[%add3A, %dma_start3A_28, %dma_start3A_29] : memref<32x125x80xi32, #tpu.memory_space<hbm>> -> memref<1x125x80xi32, #tpu.memory_space<hbm>>
      %dma_start3A_31 = tpu.memref_squeeze %dma_start3A_30 : memref<1x125x80xi32, #tpu.memory_space<hbm>> -> memref<125x80xi32, #tpu.memory_space<hbm>>
      tpu.enqueue_dma source(%dma_start3A_31 : memref<125x80xi32, #tpu.memory_space<hbm>>) target(%arg8 : memref<125x80xi32, #tpu.memory_space<vmem>>) target_semaphore(%run_scoped3A : memref<!tpu.dma_semaphore, #tpu.memory_space<semaphore_mem>>)
      %dma_wait3A = arith.constant 0 : i32
      %dma_wait3A_32 = arith.constant 0 : i32
      %dma_wait3A_33 = tpu.memref_slice %arg4[%add3A, %dma_wait3A, %dma_wait3A_32] : memref<32x125x80xi32, #tpu.memory_space<hbm>> -> memref<1x125x80xi32, #tpu.memory_space<hbm>>
      %dma_wait3A_34 = tpu.memref_squeeze %dma_wait3A_33 : memref<1x125x80xi32, #tpu.memory_space<hbm>> -> memref<125x80xi32, #tpu.memory_space<hbm>>
      %dma_wait3A_35 = arith.constant 0 : i32
      %dma_wait3A_36 = arith.constant 0 : i32
      %dma_wait3A_37 = tpu.memref_slice %arg4[%add3A, %dma_wait3A_35, %dma_wait3A_36] : memref<32x125x80xi32, #tpu.memory_space<hbm>> -> memref<1x125x80xi32, #tpu.memory_space<hbm>>
      %dma_wait3A_38 = tpu.memref_squeeze %dma_wait3A_37 : memref<1x125x80xi32, #tpu.memory_space<hbm>> -> memref<125x80xi32, #tpu.memory_space<hbm>>
      tpu.wait_dma2 semaphore(%run_scoped3A : memref<!tpu.dma_semaphore, #tpu.memory_space<semaphore_mem>>) src(%dma_wait3A_38 : memref<125x80xi32, #tpu.memory_space<hbm>>) dst(%arg8 : memref<125x80xi32, #tpu.memory_space<vmem>>)
      tpu.yield
    }) : () -> ()
    "tpu.region"() ({
      %run_scoped3A = tpu.sem_alloc : memref<!tpu.dma_semaphore, #tpu.memory_space<semaphore_mem>>
      tpu.enqueue_dma source(%arg5 : memref<80x128xf32, #tpu.memory_space<hbm>>) target(%arg9 : memref<80x128xf32, #tpu.memory_space<vmem>>) target_semaphore(%run_scoped3A : memref<!tpu.dma_semaphore, #tpu.memory_space<semaphore_mem>>)
      tpu.wait_dma2 semaphore(%run_scoped3A : memref<!tpu.dma_semaphore, #tpu.memory_space<semaphore_mem>>) src(%arg5 : memref<80x128xf32, #tpu.memory_space<hbm>>) dst(%arg9 : memref<80x128xf32, #tpu.memory_space<vmem>>)
      tpu.yield
    }) : () -> ()
    %mul3A_1 = arith.constant 640 : i32
    %mul3A_2 = arith.muli %arg1, %mul3A_1 : i32
    %add3A_3 = arith.constant 0 : i32
    %add3A_4 = arith.addi %mul3A_2, %add3A_3 : i32
    "tpu.region"() ({
      %run_scoped3A = tpu.sem_alloc : memref<!tpu.dma_semaphore, #tpu.memory_space<semaphore_mem>>
      %dma_start3A = arith.constant 0 : i32
      %dma_start3A_25 = tpu.memref_slice %arg10[%add3A_4, %dma_start3A] : memref<10240x128xf32, #tpu.memory_space<vmem_shared>> -> memref<80x128xf32, #tpu.memory_space<vmem_shared>>
      %dma_start3A_26 = arith.constant 0 : i32
      %dma_start3A_27 = tpu.memref_slice %arg10[%add3A_4, %dma_start3A_26] : memref<10240x128xf32, #tpu.memory_space<vmem_shared>> -> memref<80x128xf32, #tpu.memory_space<vmem_shared>>
      tpu.enqueue_dma source(%arg9 : memref<80x128xf32, #tpu.memory_space<vmem>>) target(%dma_start3A_27 : memref<80x128xf32, #tpu.memory_space<vmem_shared>>) target_semaphore(%run_scoped3A : memref<!tpu.dma_semaphore, #tpu.memory_space<semaphore_mem>>)
      %dma_wait3A = arith.constant 0 : i32
      %dma_wait3A_28 = tpu.memref_slice %arg10[%add3A_4, %dma_wait3A] : memref<10240x128xf32, #tpu.memory_space<vmem_shared>> -> memref<80x128xf32, #tpu.memory_space<vmem_shared>>
      %dma_wait3A_29 = arith.constant 0 : i32
      %dma_wait3A_30 = tpu.memref_slice %arg10[%add3A_4, %dma_wait3A_29] : memref<10240x128xf32, #tpu.memory_space<vmem_shared>> -> memref<80x128xf32, #tpu.memory_space<vmem_shared>>
      tpu.wait_dma2 semaphore(%run_scoped3A : memref<!tpu.dma_semaphore, #tpu.memory_space<semaphore_mem>>) src(%arg9 : memref<80x128xf32, #tpu.memory_space<vmem>>) dst(%dma_wait3A_30 : memref<80x128xf32, #tpu.memory_space<vmem_shared>>)
      tpu.yield
    }) : () -> ()
    %add3A_5 = arith.constant 80 : i32
    %add3A_6 = arith.addi %mul3A_2, %add3A_5 : i32
    "tpu.region"() ({
      %run_scoped3A = tpu.sem_alloc : memref<!tpu.dma_semaphore, #tpu.memory_space<semaphore_mem>>
      %dma_start3A = arith.constant 0 : i32
      %dma_start3A_25 = tpu.memref_slice %arg10[%add3A_6, %dma_start3A] : memref<10240x128xf32, #tpu.memory_space<vmem_shared>> -> memref<80x128xf32, #tpu.memory_space<vmem_shared>>
      %dma_start3A_26 = arith.constant 0 : i32
      %dma_start3A_27 = tpu.memref_slice %arg10[%add3A_6, %dma_start3A_26] : memref<10240x128xf32, #tpu.memory_space<vmem_shared>> -> memref<80x128xf32, #tpu.memory_space<vmem_shared>>
      tpu.enqueue_dma source(%arg9 : memref<80x128xf32, #tpu.memory_space<vmem>>) target(%dma_start3A_27 : memref<80x128xf32, #tpu.memory_space<vmem_shared>>) target_semaphore(%run_scoped3A : memref<!tpu.dma_semaphore, #tpu.memory_space<semaphore_mem>>)
      %dma_wait3A = arith.constant 0 : i32
      %dma_wait3A_28 = tpu.memref_slice %arg10[%add3A_6, %dma_wait3A] : memref<10240x128xf32, #tpu.memory_space<vmem_shared>> -> memref<80x128xf32, #tpu.memory_space<vmem_shared>>
      %dma_wait3A_29 = arith.constant 0 : i32
      %dma_wait3A_30 = tpu.memref_slice %arg10[%add3A_6, %dma_wait3A_29] : memref<10240x128xf32, #tpu.memory_space<vmem_shared>> -> memref<80x128xf32, #tpu.memory_space<vmem_shared>>
      tpu.wait_dma2 semaphore(%run_scoped3A : memref<!tpu.dma_semaphore, #tpu.memory_space<semaphore_mem>>) src(%arg9 : memref<80x128xf32, #tpu.memory_space<vmem>>) dst(%dma_wait3A_30 : memref<80x128xf32, #tpu.memory_space<vmem_shared>>)
      tpu.yield
    }) : () -> ()
    %add3A_7 = arith.constant 160 : i32
    %add3A_8 = arith.addi %mul3A_2, %add3A_7 : i32
    "tpu.region"() ({
      %run_scoped3A = tpu.sem_alloc : memref<!tpu.dma_semaphore, #tpu.memory_space<semaphore_mem>>
      %dma_start3A = arith.constant 0 : i32
      %dma_start3A_25 = tpu.memref_slice %arg10[%add3A_8, %dma_start3A] : memref<10240x128xf32, #tpu.memory_space<vmem_shared>> -> memref<80x128xf32, #tpu.memory_space<vmem_shared>>
      %dma_start3A_26 = arith.constant 0 : i32
      %dma_start3A_27 = tpu.memref_slice %arg10[%add3A_8, %dma_start3A_26] : memref<10240x128xf32, #tpu.memory_space<vmem_shared>> -> memref<80x128xf32, #tpu.memory_space<vmem_shared>>
      tpu.enqueue_dma source(%arg9 : memref<80x128xf32, #tpu.memory_space<vmem>>) target(%dma_start3A_27 : memref<80x128xf32, #tpu.memory_space<vmem_shared>>) target_semaphore(%run_scoped3A : memref<!tpu.dma_semaphore, #tpu.memory_space<semaphore_mem>>)
      %dma_wait3A = arith.constant 0 : i32
      %dma_wait3A_28 = tpu.memref_slice %arg10[%add3A_8, %dma_wait3A] : memref<10240x128xf32, #tpu.memory_space<vmem_shared>> -> memref<80x128xf32, #tpu.memory_space<vmem_shared>>
      %dma_wait3A_29 = arith.constant 0 : i32
      %dma_wait3A_30 = tpu.memref_slice %arg10[%add3A_8, %dma_wait3A_29] : memref<10240x128xf32, #tpu.memory_space<vmem_shared>> -> memref<80x128xf32, #tpu.memory_space<vmem_shared>>
      tpu.wait_dma2 semaphore(%run_scoped3A : memref<!tpu.dma_semaphore, #tpu.memory_space<semaphore_mem>>) src(%arg9 : memref<80x128xf32, #tpu.memory_space<vmem>>) dst(%dma_wait3A_30 : memref<80x128xf32, #tpu.memory_space<vmem_shared>>)
      tpu.yield
    }) : () -> ()
    %add3A_9 = arith.constant 240 : i32
    %add3A_10 = arith.addi %mul3A_2, %add3A_9 : i32
    "tpu.region"() ({
      %run_scoped3A = tpu.sem_alloc : memref<!tpu.dma_semaphore, #tpu.memory_space<semaphore_mem>>
      %dma_start3A = arith.constant 0 : i32
      %dma_start3A_25 = tpu.memref_slice %arg10[%add3A_10, %dma_start3A] : memref<10240x128xf32, #tpu.memory_space<vmem_shared>> -> memref<80x128xf32, #tpu.memory_space<vmem_shared>>
      %dma_start3A_26 = arith.constant 0 : i32
      %dma_start3A_27 = tpu.memref_slice %arg10[%add3A_10, %dma_start3A_26] : memref<10240x128xf32, #tpu.memory_space<vmem_shared>> -> memref<80x128xf32, #tpu.memory_space<vmem_shared>>
      tpu.enqueue_dma source(%arg9 : memref<80x128xf32, #tpu.memory_space<vmem>>) target(%dma_start3A_27 : memref<80x128xf32, #tpu.memory_space<vmem_shared>>) target_semaphore(%run_scoped3A : memref<!tpu.dma_semaphore, #tpu.memory_space<semaphore_mem>>)
      %dma_wait3A = arith.constant 0 : i32
      %dma_wait3A_28 = tpu.memref_slice %arg10[%add3A_10, %dma_wait3A] : memref<10240x128xf32, #tpu.memory_space<vmem_shared>> -> memref<80x128xf32, #tpu.memory_space<vmem_shared>>
      %dma_wait3A_29 = arith.constant 0 : i32
      %dma_wait3A_30 = tpu.memref_slice %arg10[%add3A_10, %dma_wait3A_29] : memref<10240x128xf32, #tpu.memory_space<vmem_shared>> -> memref<80x128xf32, #tpu.memory_space<vmem_shared>>
      tpu.wait_dma2 semaphore(%run_scoped3A : memref<!tpu.dma_semaphore, #tpu.memory_space<semaphore_mem>>) src(%arg9 : memref<80x128xf32, #tpu.memory_space<vmem>>) dst(%dma_wait3A_30 : memref<80x128xf32, #tpu.memory_space<vmem_shared>>)
      tpu.yield
    }) : () -> ()
    %add3A_11 = arith.constant 320 : i32
    %add3A_12 = arith.addi %mul3A_2, %add3A_11 : i32
    "tpu.region"() ({
      %run_scoped3A = tpu.sem_alloc : memref<!tpu.dma_semaphore, #tpu.memory_space<semaphore_mem>>
      %dma_start3A = arith.constant 0 : i32
      %dma_start3A_25 = tpu.memref_slice %arg10[%add3A_12, %dma_start3A] : memref<10240x128xf32, #tpu.memory_space<vmem_shared>> -> memref<80x128xf32, #tpu.memory_space<vmem_shared>>
      %dma_start3A_26 = arith.constant 0 : i32
      %dma_start3A_27 = tpu.memref_slice %arg10[%add3A_12, %dma_start3A_26] : memref<10240x128xf32, #tpu.memory_space<vmem_shared>> -> memref<80x128xf32, #tpu.memory_space<vmem_shared>>
      tpu.enqueue_dma source(%arg9 : memref<80x128xf32, #tpu.memory_space<vmem>>) target(%dma_start3A_27 : memref<80x128xf32, #tpu.memory_space<vmem_shared>>) target_semaphore(%run_scoped3A : memref<!tpu.dma_semaphore, #tpu.memory_space<semaphore_mem>>)
      %dma_wait3A = arith.constant 0 : i32
      %dma_wait3A_28 = tpu.memref_slice %arg10[%add3A_12, %dma_wait3A] : memref<10240x128xf32, #tpu.memory_space<vmem_shared>> -> memref<80x128xf32, #tpu.memory_space<vmem_shared>>
      %dma_wait3A_29 = arith.constant 0 : i32
      %dma_wait3A_30 = tpu.memref_slice %arg10[%add3A_12, %dma_wait3A_29] : memref<10240x128xf32, #tpu.memory_space<vmem_shared>> -> memref<80x128xf32, #tpu.memory_space<vmem_shared>>
      tpu.wait_dma2 semaphore(%run_scoped3A : memref<!tpu.dma_semaphore, #tpu.memory_space<semaphore_mem>>) src(%arg9 : memref<80x128xf32, #tpu.memory_space<vmem>>) dst(%dma_wait3A_30 : memref<80x128xf32, #tpu.memory_space<vmem_shared>>)
      tpu.yield
    }) : () -> ()
    %add3A_13 = arith.constant 400 : i32
    %add3A_14 = arith.addi %mul3A_2, %add3A_13 : i32
    "tpu.region"() ({
      %run_scoped3A = tpu.sem_alloc : memref<!tpu.dma_semaphore, #tpu.memory_space<semaphore_mem>>
      %dma_start3A = arith.constant 0 : i32
      %dma_start3A_25 = tpu.memref_slice %arg10[%add3A_14, %dma_start3A] : memref<10240x128xf32, #tpu.memory_space<vmem_shared>> -> memref<80x128xf32, #tpu.memory_space<vmem_shared>>
      %dma_start3A_26 = arith.constant 0 : i32
      %dma_start3A_27 = tpu.memref_slice %arg10[%add3A_14, %dma_start3A_26] : memref<10240x128xf32, #tpu.memory_space<vmem_shared>> -> memref<80x128xf32, #tpu.memory_space<vmem_shared>>
      tpu.enqueue_dma source(%arg9 : memref<80x128xf32, #tpu.memory_space<vmem>>) target(%dma_start3A_27 : memref<80x128xf32, #tpu.memory_space<vmem_shared>>) target_semaphore(%run_scoped3A : memref<!tpu.dma_semaphore, #tpu.memory_space<semaphore_mem>>)
      %dma_wait3A = arith.constant 0 : i32
      %dma_wait3A_28 = tpu.memref_slice %arg10[%add3A_14, %dma_wait3A] : memref<10240x128xf32, #tpu.memory_space<vmem_shared>> -> memref<80x128xf32, #tpu.memory_space<vmem_shared>>
      %dma_wait3A_29 = arith.constant 0 : i32
      %dma_wait3A_30 = tpu.memref_slice %arg10[%add3A_14, %dma_wait3A_29] : memref<10240x128xf32, #tpu.memory_space<vmem_shared>> -> memref<80x128xf32, #tpu.memory_space<vmem_shared>>
      tpu.wait_dma2 semaphore(%run_scoped3A : memref<!tpu.dma_semaphore, #tpu.memory_space<semaphore_mem>>) src(%arg9 : memref<80x128xf32, #tpu.memory_space<vmem>>) dst(%dma_wait3A_30 : memref<80x128xf32, #tpu.memory_space<vmem_shared>>)
      tpu.yield
    }) : () -> ()
    %add3A_15 = arith.constant 480 : i32
    %add3A_16 = arith.addi %mul3A_2, %add3A_15 : i32
    "tpu.region"() ({
      %run_scoped3A = tpu.sem_alloc : memref<!tpu.dma_semaphore, #tpu.memory_space<semaphore_mem>>
      %dma_start3A = arith.constant 0 : i32
      %dma_start3A_25 = tpu.memref_slice %arg10[%add3A_16, %dma_start3A] : memref<10240x128xf32, #tpu.memory_space<vmem_shared>> -> memref<80x128xf32, #tpu.memory_space<vmem_shared>>
      %dma_start3A_26 = arith.constant 0 : i32
      %dma_start3A_27 = tpu.memref_slice %arg10[%add3A_16, %dma_start3A_26] : memref<10240x128xf32, #tpu.memory_space<vmem_shared>> -> memref<80x128xf32, #tpu.memory_space<vmem_shared>>
      tpu.enqueue_dma source(%arg9 : memref<80x128xf32, #tpu.memory_space<vmem>>) target(%dma_start3A_27 : memref<80x128xf32, #tpu.memory_space<vmem_shared>>) target_semaphore(%run_scoped3A : memref<!tpu.dma_semaphore, #tpu.memory_space<semaphore_mem>>)
      %dma_wait3A = arith.constant 0 : i32
      %dma_wait3A_28 = tpu.memref_slice %arg10[%add3A_16, %dma_wait3A] : memref<10240x128xf32, #tpu.memory_space<vmem_shared>> -> memref<80x128xf32, #tpu.memory_space<vmem_shared>>
      %dma_wait3A_29 = arith.constant 0 : i32
      %dma_wait3A_30 = tpu.memref_slice %arg10[%add3A_16, %dma_wait3A_29] : memref<10240x128xf32, #tpu.memory_space<vmem_shared>> -> memref<80x128xf32, #tpu.memory_space<vmem_shared>>
      tpu.wait_dma2 semaphore(%run_scoped3A : memref<!tpu.dma_semaphore, #tpu.memory_space<semaphore_mem>>) src(%arg9 : memref<80x128xf32, #tpu.memory_space<vmem>>) dst(%dma_wait3A_30 : memref<80x128xf32, #tpu.memory_space<vmem_shared>>)
      tpu.yield
    }) : () -> ()
    %add3A_17 = arith.constant 560 : i32
    %add3A_18 = arith.addi %mul3A_2, %add3A_17 : i32
    "tpu.region"() ({
      %run_scoped3A = tpu.sem_alloc : memref<!tpu.dma_semaphore, #tpu.memory_space<semaphore_mem>>
      %dma_start3A = arith.constant 0 : i32
      %dma_start3A_25 = tpu.memref_slice %arg10[%add3A_18, %dma_start3A] : memref<10240x128xf32, #tpu.memory_space<vmem_shared>> -> memref<80x128xf32, #tpu.memory_space<vmem_shared>>
      %dma_start3A_26 = arith.constant 0 : i32
      %dma_start3A_27 = tpu.memref_slice %arg10[%add3A_18, %dma_start3A_26] : memref<10240x128xf32, #tpu.memory_space<vmem_shared>> -> memref<80x128xf32, #tpu.memory_space<vmem_shared>>
      tpu.enqueue_dma source(%arg9 : memref<80x128xf32, #tpu.memory_space<vmem>>) target(%dma_start3A_27 : memref<80x128xf32, #tpu.memory_space<vmem_shared>>) target_semaphore(%run_scoped3A : memref<!tpu.dma_semaphore, #tpu.memory_space<semaphore_mem>>)
      %dma_wait3A = arith.constant 0 : i32
      %dma_wait3A_28 = tpu.memref_slice %arg10[%add3A_18, %dma_wait3A] : memref<10240x128xf32, #tpu.memory_space<vmem_shared>> -> memref<80x128xf32, #tpu.memory_space<vmem_shared>>
      %dma_wait3A_29 = arith.constant 0 : i32
      %dma_wait3A_30 = tpu.memref_slice %arg10[%add3A_18, %dma_wait3A_29] : memref<10240x128xf32, #tpu.memory_space<vmem_shared>> -> memref<80x128xf32, #tpu.memory_space<vmem_shared>>
      tpu.wait_dma2 semaphore(%run_scoped3A : memref<!tpu.dma_semaphore, #tpu.memory_space<semaphore_mem>>) src(%arg9 : memref<80x128xf32, #tpu.memory_space<vmem>>) dst(%dma_wait3A_30 : memref<80x128xf32, #tpu.memory_space<vmem_shared>>)
      tpu.yield
    }) : () -> ()
    %barrier3A = arith.constant 0 : index
    tpu.barrier barrier_id(%barrier3A)
    %scan3A = arith.constant 0 : i32
    %scan3A_19 = arith.constant 0 : i32
    %scan3A_20 = arith.constant 125 : i32
    %scan3A_21 = arith.addi %scan3A_19, %scan3A_20 : i32
    %scan3A_22 = arith.constant 1 : i32
    scf.for %scan3A_25 = %scan3A_19 to %scan3A_21 step %scan3A_22  : i32 {
      %dma_start3A = arith.constant 0 : i32
      %dma_start3A_26 = tpu.memref_slice %arg7[%scan3A_25, %dma_start3A] : memref<125x80xi32, #tpu.memory_space<vmem>> -> memref<1x80xi32, #tpu.memory_space<vmem>>
      %dma_start3A_27 = tpu.memref_squeeze %dma_start3A_26 : memref<1x80xi32, #tpu.memory_space<vmem>> -> memref<80xi32, #tpu.memory_space<vmem>>
      %dma_start3A_28 = arith.constant 0 : i32
      %dma_start3A_29 = arith.constant 0 : i32
      %dma_start3A_30 = tpu.memref_slice %arg2[%dma_start3A_28, %dma_start3A_29] : memref<10000x128xf32, #tpu.memory_space<hbm>> -> memref<10000x128xf32, #tpu.memory_space<hbm>>
      tpu.enqueue_indirect_dma source(%dma_start3A_30 : memref<10000x128xf32, #tpu.memory_space<hbm>>) target(%arg9 : memref<80x128xf32, #tpu.memory_space<vmem>>) offsets(%dma_start3A_27 : memref<80xi32, #tpu.memory_space<vmem>>) semaphore(%arg11 : memref<!tpu.dma_semaphore, #tpu.memory_space<semaphore_mem>>)
      %dma_wait3A = arith.constant 0 : i32
      %dma_wait3A_31 = tpu.memref_slice %arg7[%scan3A_25, %dma_wait3A] : memref<125x80xi32, #tpu.memory_space<vmem>> -> memref<1x80xi32, #tpu.memory_space<vmem>>
      %dma_wait3A_32 = tpu.memref_squeeze %dma_wait3A_31 : memref<1x80xi32, #tpu.memory_space<vmem>> -> memref<80xi32, #tpu.memory_space<vmem>>
      %dma_wait3A_33 = arith.constant 0 : i32
      %dma_wait3A_34 = arith.constant 0 : i32
      %dma_wait3A_35 = tpu.memref_slice %arg2[%dma_wait3A_33, %dma_wait3A_34] : memref<10000x128xf32, #tpu.memory_space<hbm>> -> memref<10000x128xf32, #tpu.memory_space<hbm>>
      tpu.wait_indirect_dma semaphore(%arg11 : memref<!tpu.dma_semaphore, #tpu.memory_space<semaphore_mem>>) src(%dma_wait3A_35 : memref<10000x128xf32, #tpu.memory_space<hbm>>) dst(%arg9 : memref<80x128xf32, #tpu.memory_space<vmem>>)
      "tpu.region"() ({
        %run_scoped3A = tpu.sem_alloc : memref<!tpu.dma_semaphore, #tpu.memory_space<semaphore_mem>>
        %dma_start3A_36 = arith.constant 0 : i32
        %dma_start3A_37 = tpu.memref_slice %arg8[%scan3A_25, %dma_start3A_36] : memref<125x80xi32, #tpu.memory_space<vmem>> -> memref<1x80xi32, #tpu.memory_space<vmem>>
        %dma_start3A_38 = tpu.memref_squeeze %dma_start3A_37 : memref<1x80xi32, #tpu.memory_space<vmem>> -> memref<80xi32, #tpu.memory_space<vmem>>
        %dma_start3A_39 = arith.constant 0 : i32
        %dma_start3A_40 = arith.constant 0 : i32
        %dma_start3A_41 = tpu.memref_slice %arg10[%dma_start3A_39, %dma_start3A_40] : memref<10240x128xf32, #tpu.memory_space<vmem_shared>> -> memref<10240x128xf32, #tpu.memory_space<vmem_shared>>
        tpu.enqueue_indirect_dma source(%arg9 : memref<80x128xf32, #tpu.memory_space<vmem>>) target(%dma_start3A_41 : memref<10240x128xf32, #tpu.memory_space<vmem_shared>>) offsets(%dma_start3A_38 : memref<80xi32, #tpu.memory_space<vmem>>) semaphore(%run_scoped3A : memref<!tpu.dma_semaphore, #tpu.memory_space<semaphore_mem>>) {add = true}
        %dma_wait3A_42 = arith.constant 0 : i32
        %dma_wait3A_43 = tpu.memref_slice %arg8[%scan3A_25, %dma_wait3A_42] : memref<125x80xi32, #tpu.memory_space<vmem>> -> memref<1x80xi32, #tpu.memory_space<vmem>>
        %dma_wait3A_44 = tpu.memref_squeeze %dma_wait3A_43 : memref<1x80xi32, #tpu.memory_space<vmem>> -> memref<80xi32, #tpu.memory_space<vmem>>
        %dma_wait3A_45 = arith.constant 0 : i32
        %dma_wait3A_46 = arith.constant 0 : i32
        %dma_wait3A_47 = tpu.memref_slice %arg10[%dma_wait3A_45, %dma_wait3A_46] : memref<10240x128xf32, #tpu.memory_space<vmem_shared>> -> memref<10240x128xf32, #tpu.memory_space<vmem_shared>>
        tpu.wait_indirect_dma semaphore(%run_scoped3A : memref<!tpu.dma_semaphore, #tpu.memory_space<semaphore_mem>>) src(%arg9 : memref<80x128xf32, #tpu.memory_space<vmem>>) dst(%dma_wait3A_47 : memref<10240x128xf32, #tpu.memory_space<vmem_shared>>)
        tpu.yield
      }) : () -> ()
    }
    %scan3A_23 = arith.constant 125 : i32
    %barrier3A_24 = arith.constant 0 : index
    tpu.barrier barrier_id(%barrier3A_24)
    "tpu.region"() ({
      %run_scoped3A = tpu.sem_alloc : memref<!tpu.dma_semaphore, #tpu.memory_space<semaphore_mem>>
      %dma_start3A = arith.constant 0 : i32
      %dma_start3A_25 = tpu.memref_slice %arg6[%arg0, %mul3A_2, %dma_start3A] : memref<2x10240x128xf32, #tpu.memory_space<hbm>> -> memref<1x640x128xf32, #tpu.memory_space<hbm>>
      %dma_start3A_26 = tpu.memref_squeeze %dma_start3A_25 : memref<1x640x128xf32, #tpu.memory_space<hbm>> -> memref<640x128xf32, #tpu.memory_space<hbm>>
      %dma_start3A_27 = arith.constant 0 : i32
      %dma_start3A_28 = tpu.memref_slice %arg10[%mul3A_2, %dma_start3A_27] : memref<10240x128xf32, #tpu.memory_space<vmem_shared>> -> memref<640x128xf32, #tpu.memory_space<vmem_shared>>
      tpu.enqueue_dma source(%dma_start3A_28 : memref<640x128xf32, #tpu.memory_space<vmem_shared>>) target(%dma_start3A_26 : memref<640x128xf32, #tpu.memory_space<hbm>>) target_semaphore(%run_scoped3A : memref<!tpu.dma_semaphore, #tpu.memory_space<semaphore_mem>>)
      %dma_wait3A = arith.constant 0 : i32
      %dma_wait3A_29 = tpu.memref_slice %arg6[%arg0, %mul3A_2, %dma_wait3A] : memref<2x10240x128xf32, #tpu.memory_space<hbm>> -> memref<1x640x128xf32, #tpu.memory_space<hbm>>
      %dma_wait3A_30 = tpu.memref_squeeze %dma_wait3A_29 : memref<1x640x128xf32, #tpu.memory_space<hbm>> -> memref<640x128xf32, #tpu.memory_space<hbm>>
      %dma_wait3A_31 = arith.constant 0 : i32
      %dma_wait3A_32 = tpu.memref_slice %arg10[%mul3A_2, %dma_wait3A_31] : memref<10240x128xf32, #tpu.memory_space<vmem_shared>> -> memref<640x128xf32, #tpu.memory_space<vmem_shared>>
      tpu.wait_dma2 semaphore(%run_scoped3A : memref<!tpu.dma_semaphore, #tpu.memory_space<semaphore_mem>>) src(%dma_wait3A_32 : memref<640x128xf32, #tpu.memory_space<vmem_shared>>) dst(%dma_wait3A_30 : memref<640x128xf32, #tpu.memory_space<hbm>>)
      tpu.yield
    }) : () -> ()
    return
  }
}

module attributes {stable_mosaic.version = 14 : i64} {
  func.func @_mm2_body(%arg0: memref<10000x128xf32, #tpu.memory_space<vmem>>, %arg1: memref<128x128xf32, #tpu.memory_space<vmem>>, %arg2: memref<128x128xf32, #tpu.memory_space<vmem>>, %arg3: memref<10000x128xf32, #tpu.memory_space<vmem>>, %arg4: memref<10000x128xf32, #tpu.memory_space<vmem>>) attributes {dimension_semantics = [], scalar_prefetch = 0 : i64, scratch_operands = 0 : i64, tpu.core_type = #tpu.core_type<tc>} {
    %get3A = arith.constant 0 : index
    %get3A_0 = arith.constant 0 : index
    %get3A_1 = vector.load %arg0[%get3A, %get3A_0] : memref<10000x128xf32, #tpu.memory_space<vmem>>, vector<10000x128xf32>
    %get3A_2 = arith.constant 0 : index
    %get3A_3 = arith.constant 0 : index
    %get3A_4 = vector.load %arg1[%get3A_2, %get3A_3] : memref<128x128xf32, #tpu.memory_space<vmem>>, vector<128x128xf32>
    %dot_general3A = arith.constant dense<0.000000e+00> : vector<10000x128xf32>
    %dot_general3A_5 = tpu.matmul %get3A_1, %get3A_4, %dot_general3A {dimension_numbers = #tpu.dot_dimension_numbers<[1], [1], [0], [0], [0, 0, 1, 0], [], []>, transpose_lhs_hint = false} : vector<10000x128xf32>, vector<128x128xf32>, vector<10000x128xf32> -> vector<10000x128xf32>
    %swap3A = arith.constant 0 : index
    %swap3A_6 = arith.constant 0 : index
    %swap3A_7 = vector.load %arg3[%swap3A, %swap3A_6] : memref<10000x128xf32, #tpu.memory_space<vmem>>, vector<10000x128xf32>
    tpu.vector_store %arg3[%swap3A, %swap3A_6], %dot_general3A_5 {strides = array<i32>} : memref<10000x128xf32, #tpu.memory_space<vmem>>, vector<10000x128xf32>,
    %get3A_8 = arith.constant 0 : index
    %get3A_9 = arith.constant 0 : index
    %get3A_10 = vector.load %arg2[%get3A_8, %get3A_9] : memref<128x128xf32, #tpu.memory_space<vmem>>, vector<128x128xf32>
    %dot_general3A_11 = arith.constant dense<0.000000e+00> : vector<10000x128xf32>
    %dot_general3A_12 = tpu.matmul %get3A_1, %get3A_10, %dot_general3A_11 {dimension_numbers = #tpu.dot_dimension_numbers<[1], [1], [0], [0], [0, 0, 1, 0], [], []>, transpose_lhs_hint = false} : vector<10000x128xf32>, vector<128x128xf32>, vector<10000x128xf32> -> vector<10000x128xf32>
    %swap3A_13 = arith.constant 0 : index
    %swap3A_14 = arith.constant 0 : index
    %swap3A_15 = vector.load %arg4[%swap3A_13, %swap3A_14] : memref<10000x128xf32, #tpu.memory_space<vmem>>, vector<10000x128xf32>
    tpu.vector_store %arg4[%swap3A_13, %swap3A_14], %dot_general3A_12 {strides = array<i32>} : memref<10000x128xf32, #tpu.memory_space<vmem>>, vector<10000x128xf32>,
    return
  }
}

module attributes {stable_mosaic.version = 14 : i64} {
  func.func @_mid_body(%arg0: memref<10000x128xf32, #tpu.memory_space<vmem>>, %arg1: memref<2x10240x128xf32, #tpu.memory_space<vmem>>, %arg2: memref<1x128xf32, #tpu.memory_space<vmem>>, %arg3: memref<1x128xf32, #tpu.memory_space<vmem>>, %arg4: memref<128x128xf32, #tpu.memory_space<vmem>>, %arg5: memref<128x128xf32, #tpu.memory_space<vmem>>, %arg6: memref<10000x128xf32, #tpu.memory_space<vmem>>, %arg7: memref<10000x128xf32, #tpu.memory_space<vmem>>) attributes {dimension_semantics = [], scalar_prefetch = 0 : i64, scratch_operands = 0 : i64, tpu.core_type = #tpu.core_type<tc>} {
    %get3A = arith.constant 0 : index
    %get3A_0 = arith.constant 0 : index
    %get3A_1 = vector.load %arg0[%get3A, %get3A_0] : memref<10000x128xf32, #tpu.memory_space<vmem>>, vector<10000x128xf32>
    %get3A_2 = arith.constant 0 : index
    %get3A_3 = arith.constant 0 : index
    %get3A_4 = arith.constant 0 : index
    %get3A_5 = vector.load %arg1[%get3A_2, %get3A_3, %get3A_4] : memref<2x10240x128xf32, #tpu.memory_space<vmem>>, vector<1x10000x128xf32>
    %get3A_6 = vector.shape_cast %get3A_5 : vector<1x10000x128xf32> to vector<10000x128xf32>
    %add3A = arith.addf %get3A_1, %get3A_6 : vector<10000x128xf32>
    %get3A_7 = arith.constant 1 : index
    %get3A_8 = arith.constant 0 : index
    %get3A_9 = arith.constant 0 : index
    %get3A_10 = vector.load %arg1[%get3A_7, %get3A_8, %get3A_9] : memref<2x10240x128xf32, #tpu.memory_space<vmem>>, vector<1x10000x128xf32>
    %get3A_11 = vector.shape_cast %get3A_10 : vector<1x10000x128xf32> to vector<10000x128xf32>
    %add3A_12 = arith.addf %add3A, %get3A_11 : vector<10000x128xf32>
    %reduce_sum3A = arith.constant dense<0.000000e+00> : vector<128xf32>
    %reduce_sum3A_13 = vector.multi_reduction <add>, %add3A_12, %reduce_sum3A [0] : vector<10000x128xf32> to vector<128xf32>
    %broadcast_in_dim3A = vector.shape_cast %reduce_sum3A_13 : vector<128xf32> to vector<1x128xf32>
    %div3A = arith.constant 1.000000e+04 : f32
    %div3A_14 = vector.broadcast %div3A : f32 to vector<1x128xf32>
    %div3A_15 = arith.divf %broadcast_in_dim3A, %div3A_14 : vector<1x128xf32>
    %sub3A = vector.broadcast %div3A_15 : vector<1x128xf32> to vector<10000x128xf32>
    %sub3A_16 = arith.subf %add3A_12, %sub3A : vector<10000x128xf32>
    %integer_pow3A = arith.mulf %sub3A_16, %sub3A_16 : vector<10000x128xf32>
    %reduce_sum3A_17 = arith.constant dense<0.000000e+00> : vector<128xf32>
    %reduce_sum3A_18 = vector.multi_reduction <add>, %integer_pow3A, %reduce_sum3A_17 [0] : vector<10000x128xf32> to vector<128xf32>
    %broadcast_in_dim3A_19 = vector.shape_cast %reduce_sum3A_18 : vector<128xf32> to vector<1x128xf32>
    %div3A_20 = arith.constant 1.000000e+04 : f32
    %div3A_21 = vector.broadcast %div3A_20 : f32 to vector<1x128xf32>
    %div3A_22 = arith.divf %broadcast_in_dim3A_19, %div3A_21 : vector<1x128xf32>
    %sub3A_23 = vector.broadcast %div3A_15 : vector<1x128xf32> to vector<10000x128xf32>
    %sub3A_24 = arith.subf %add3A_12, %sub3A_23 : vector<10000x128xf32>
    %add3A_25 = arith.constant 9.99999974E-6 : f32
    %add3A_26 = vector.broadcast %add3A_25 : f32 to vector<1x128xf32>
    %add3A_27 = arith.addf %div3A_22, %add3A_26 : vector<1x128xf32>
    %rsqrt3A = math.rsqrt %add3A_27 : vector<1x128xf32>
    %mul3A = vector.broadcast %rsqrt3A : vector<1x128xf32> to vector<10000x128xf32>
    %mul3A_28 = arith.mulf %sub3A_24, %mul3A : vector<10000x128xf32>
    %get3A_29 = arith.constant 0 : index
    %get3A_30 = arith.constant 0 : index
    %get3A_31 = vector.load %arg2[%get3A_29, %get3A_30] : memref<1x128xf32, #tpu.memory_space<vmem>>, vector<1x128xf32>
    %mul3A_32 = vector.broadcast %get3A_31 : vector<1x128xf32> to vector<10000x128xf32>
    %mul3A_33 = arith.mulf %mul3A_28, %mul3A_32 : vector<10000x128xf32>
    %get3A_34 = arith.constant 0 : index
    %get3A_35 = arith.constant 0 : index
    %get3A_36 = vector.load %arg3[%get3A_34, %get3A_35] : memref<1x128xf32, #tpu.memory_space<vmem>>, vector<1x128xf32>
    %add3A_37 = vector.broadcast %get3A_36 : vector<1x128xf32> to vector<10000x128xf32>
    %add3A_38 = arith.addf %mul3A_33, %add3A_37 : vector<10000x128xf32>
    %max3A = arith.constant 0.000000e+00 : f32
    %max3A_39 = vector.broadcast %max3A : f32 to vector<10000x128xf32>
    %max3A_40 = arith.maximumf %add3A_38, %max3A_39 : vector<10000x128xf32>
    %get3A_41 = arith.constant 0 : index
    %get3A_42 = arith.constant 0 : index
    %get3A_43 = vector.load %arg4[%get3A_41, %get3A_42] : memref<128x128xf32, #tpu.memory_space<vmem>>, vector<128x128xf32>
    %dot_general3A = arith.constant dense<0.000000e+00> : vector<10000x128xf32>
    %dot_general3A_44 = tpu.matmul %max3A_40, %get3A_43, %dot_general3A {dimension_numbers = #tpu.dot_dimension_numbers<[1], [1], [0], [0], [0, 0, 1, 0], [], []>, transpose_lhs_hint = false} : vector<10000x128xf32>, vector<128x128xf32>, vector<10000x128xf32> -> vector<10000x128xf32>
    %swap3A = arith.constant 0 : index
    %swap3A_45 = arith.constant 0 : index
    %swap3A_46 = vector.load %arg6[%swap3A, %swap3A_45] : memref<10000x128xf32, #tpu.memory_space<vmem>>, vector<10000x128xf32>
    tpu.vector_store %arg6[%swap3A, %swap3A_45], %dot_general3A_44 {strides = array<i32>} : memref<10000x128xf32, #tpu.memory_space<vmem>>, vector<10000x128xf32>,
    %get3A_47 = arith.constant 0 : index
    %get3A_48 = arith.constant 0 : index
    %get3A_49 = vector.load %arg5[%get3A_47, %get3A_48] : memref<128x128xf32, #tpu.memory_space<vmem>>, vector<128x128xf32>
    %dot_general3A_50 = arith.constant dense<0.000000e+00> : vector<10000x128xf32>
    %dot_general3A_51 = tpu.matmul %max3A_40, %get3A_49, %dot_general3A_50 {dimension_numbers = #tpu.dot_dimension_numbers<[1], [1], [0], [0], [0, 0, 1, 0], [], []>, transpose_lhs_hint = false} : vector<10000x128xf32>, vector<128x128xf32>, vector<10000x128xf32> -> vector<10000x128xf32>
    %swap3A_52 = arith.constant 0 : index
    %swap3A_53 = arith.constant 0 : index
    %swap3A_54 = vector.load %arg7[%swap3A_52, %swap3A_53] : memref<10000x128xf32, #tpu.memory_space<vmem>>, vector<10000x128xf32>
    tpu.vector_store %arg7[%swap3A_52, %swap3A_53], %dot_general3A_51 {strides = array<i32>} : memref<10000x128xf32, #tpu.memory_space<vmem>>, vector<10000x128xf32>,
    return
  }
}

module attributes {stable_mosaic.version = 14 : i64} {
  func.func @_final_body(%arg0: memref<10000x128xf32, #tpu.memory_space<vmem>>, %arg1: memref<2x10240x128xf32, #tpu.memory_space<vmem>>, %arg2: memref<10000x128xf32, #tpu.memory_space<vmem>>) attributes {dimension_semantics = [], scalar_prefetch = 0 : i64, scratch_operands = 0 : i64, tpu.core_type = #tpu.core_type<tc>} {
    %get3A = arith.constant 0 : index
    %get3A_0 = arith.constant 0 : index
    %get3A_1 = vector.load %arg0[%get3A, %get3A_0] : memref<10000x128xf32, #tpu.memory_space<vmem>>, vector<10000x128xf32>
    %get3A_2 = arith.constant 0 : index
    %get3A_3 = arith.constant 0 : index
    %get3A_4 = arith.constant 0 : index
    %get3A_5 = vector.load %arg1[%get3A_2, %get3A_3, %get3A_4] : memref<2x10240x128xf32, #tpu.memory_space<vmem>>, vector<1x10000x128xf32>
    %get3A_6 = vector.shape_cast %get3A_5 : vector<1x10000x128xf32> to vector<10000x128xf32>
    %add3A = arith.addf %get3A_1, %get3A_6 : vector<10000x128xf32>
    %get3A_7 = arith.constant 1 : index
    %get3A_8 = arith.constant 0 : index
    %get3A_9 = arith.constant 0 : index
    %get3A_10 = vector.load %arg1[%get3A_7, %get3A_8, %get3A_9] : memref<2x10240x128xf32, #tpu.memory_space<vmem>>, vector<1x10000x128xf32>
    %get3A_11 = vector.shape_cast %get3A_10 : vector<1x10000x128xf32> to vector<10000x128xf32>
    %add3A_12 = arith.addf %add3A, %get3A_11 : vector<10000x128xf32>
    %reduce_max3A = arith.constant dense<0xFF800000> : vector<10000xf32>
    %reduce_max3A_13 = vector.multi_reduction <maximumf>, %add3A_12, %reduce_max3A [1] : vector<10000x128xf32> to vector<10000xf32>
    %broadcast_in_dim3A = vector.shape_cast %reduce_max3A_13 : vector<10000xf32> to vector<10000x1xf32>
    %sub3A = vector.broadcast %broadcast_in_dim3A : vector<10000x1xf32> to vector<10000x128xf32>
    %sub3A_14 = arith.subf %add3A_12, %sub3A : vector<10000x128xf32>
    %exp3A = math.exp %sub3A_14 : vector<10000x128xf32>
    %reduce_sum3A = arith.constant dense<0.000000e+00> : vector<10000xf32>
    %reduce_sum3A_15 = vector.multi_reduction <add>, %exp3A, %reduce_sum3A [1] : vector<10000x128xf32> to vector<10000xf32>
    %broadcast_in_dim3A_16 = vector.shape_cast %reduce_sum3A_15 : vector<10000xf32> to vector<10000x1xf32>
    %log3A = math.log %broadcast_in_dim3A_16 : vector<10000x1xf32>
    %add3A_17 = arith.addf %log3A, %broadcast_in_dim3A : vector<10000x1xf32>
    %sub3A_18 = vector.broadcast %add3A_17 : vector<10000x1xf32> to vector<10000x128xf32>
    %sub3A_19 = arith.subf %add3A_12, %sub3A_18 : vector<10000x128xf32>
    %swap3A = arith.constant 0 : index
    %swap3A_20 = arith.constant 0 : index
    %swap3A_21 = vector.load %arg2[%swap3A, %swap3A_20] : memref<10000x128xf32, #tpu.memory_space<vmem>>, vector<10000x128xf32>
    tpu.vector_store %arg2[%swap3A, %swap3A_20], %sub3A_19 {strides = array<i32>} : memref<10000x128xf32, #tpu.memory_space<vmem>>, vector<10000x128xf32>,
    return
  }
}

</mosaic_0001>

<sc_bundles>
// kernel: kernel.12.cloned.1.call-start
scs
__scs_entry_jumppad:
0x0: {  	(pc) =	sbr.rel $0x88, $3  }
0x1: {  	(tag) =	ssettag $0x0;
	lr =	simm.s32 $0x1  }
0x2: {  	[smem:$0x3F95] =	sst lr;
	_ =	strace $0xD0000000  }
0x3: {  	_ = 	snop  }
0x4: {  	_ = 	snop  }
0x5: {  	_ = 	snop  }
0x6: {  	_ = 	snop  }
0x7: {  	_ = 	snop  }
__scs_overlays_trampoline_lowered:
0x8: {  	[smem:$0x3FA4] =	sst s0  }
0x9: {  	[smem:$0x3FA5] =	sst s1  }
0xa: {  	[smem:$0x3FA6] =	sst s2  }
0xb: {  	[smem:$0x3FA7] =	sst s3  }
0xc: {  	[smem:$0x3FA8] =	sst s4  }
0xd: {  	[smem:$0x3FA9] =	sst s5  }
0xe: {  	[smem:$0x3FAA] =	sst s6  }
0xf: {  	[smem:$0x3FAB] =	sst s7  }
0x10: {  	[smem:$0x3FAC] =	sst s8  }
0x11: {  	[smem:$0x3FAD] =	sst s9;
	s0 =	simm.s32 @!p0 $0x0  }
0x12: {  	s1 =	sld [smem:$0x3F93];
	s0 =	simm.s32 @p0 $0x1  }
0x13: {  	[smem:$0x3FAE] =	sst s0;
	s0 =	simm.s32 @!p1 $0x0  }
0x14: {  	s2 =	sld [smem:$0x3F92];
	s0 =	simm.s32 @p1 $0x1  }
0x15: {  	[smem:$0x3FAF] =	sst s0;
	s0 =	simm.s32 @!p2 $0x0  }
0x16: {  	s3 =	sld [smem:$0x3FDB];
	s0 =	simm.s32 @p2 $0x1  }
0x17: {  	s4 =	simm.s32 $0x1BF5;
	[smem:$0x3FB1] =	sst s0  }
0x18: {  	s0 =	sld [smem:$0x3F94];
	_ =	swait.ge [sflag:s4], $0x0  }
0x19: {  	s7 =	sld [smem:$0x3F95]  }
0x1a: {  	s8 =	sadd.s32 $0xFFFFE003, lr  }
0x1b: {  	s9 =	sadd.s32 $0xFFFFFEF7, lr;
	s5 =	simm.s32 $0xFFFFFFFF;
	p2 =	slt.u32 s8, $0xFFFFF086  }
0x1c: {  	p1 =	slt.u32 s9, $0xF7A;
	s5 =	simm.s32 @!p2 $0x0  }
0x1d: {  	s5 =	simm.s32 @p1 $0x1;
	p0 =	seq.s32 s7, s2  }
0x1e: {  	s7 =	smul.u32 @!p0 $0xF7A, s2;
	p2 =	seq.s32 @!p0 s5, $0x0  }
0x1f: {  	s9 =	smul.u32 $0xF7A, s1;
	s8 =	simm.s32 @!p0 $0x1BF5;
	p2 =	por !p2, p0  }
0x20: {  	[sflag:s8] =	ssyncset.s32 @!p0 $0xFFFFF086;
	s6 =	sadd.s32 @!p0 s3, s7;
	s7 =	simm.s32 @!p0 $0x108  }
0x21: {  	s3 =	sadd.s32 s3, s9;
	s6 =	sadd.s32 @!p0 $0x88, s6;
	s7 =	simm.s32 @p2 $0x1082  }
0x22: {  	[simem:s7], [sflag:s8] =	dma.local @!p0 [hbm:s6], $0xF7A  }
0x23: {  	s9 =	sor.u32 $0xD0000000, s2;
	s6 =	simm.s32 $0x108;
	_ =	swait.ge @!p0 [sflag:s8], $0x0  }
0x24: {  	s3 =	sadd.s32 $0x88, s3;
	s6 =	simm.s32 @!p1 $0x1082;
	[sflag:s4] =	ssyncset.s32 $0xFFFFF086  }
0x25: {  	[simem:s6], [sflag:s4] =	dma.local [hbm:s3], $0xF7A  }
0x26: {  	[smem:$0x3F95] =	sst s1;
	(tag) =	ssettag s2;
	_ =	strace s9  }
0x27: {  	s1 =	sld [smem:$0x3FA5]  }
0x28: {  	s2 =	sld [smem:$0x3FA6]  }
0x29: {  	s4 =	sld [smem:$0x3FA8]  }
0x2a: {  	p0 =	seq.s32 s5, $0x0;
	s5 =	sld [smem:$0x3FA9]  }
0x2b: {  	s6 =	sld [smem:$0x3FAA]  }
0x2c: {  	s7 =	sld [smem:$0x3FAB]  }
0x2d: {  	s3 =	simm.s32 $0x108;
	s8 =	sld [smem:$0x3FAC]  }
0x2e: {  	s3 =	simm.s32 @!p0 $0x1082;
	s9 =	sld [smem:$0x3FAD]  }
0x2f: {  	lr =	sadd.s32 s0, s3;
	s0 =	sld [smem:$0x3FA4]  }
0x30: {  	s3 =	sld [smem:$0x3FA7]  }
0x31: {  	[smem:$0x3FB0] =	sst s10  }
0x32: {  	s10 =	sld [smem:$0x3FAE];
	_ =	sdelay $0x3  }
0x33: {  	p0 =	seq.s32 s10, $0x1;
	s10 =	sld [smem:$0x3FB0];
	_ =	sdelay $0x3  }
0x34: {  	[smem:$0x3FB0] =	sst s10  }
0x35: {  	s10 =	sld [smem:$0x3FAF];
	_ =	sdelay $0x3  }
0x36: {  	p1 =	seq.s32 s10, $0x1;
	s10 =	sld [smem:$0x3FB0];
	_ =	sdelay $0x3  }
0x37: {  	[smem:$0x3FB0] =	sst s10  }
0x38: {  	s10 =	sld [smem:$0x3FB1]  }
0x39: {  	_ = 	snop;
	(pc) =	sbr.ind lr, $3  }
0x3a: {  	_ = 	snop  }
0x3b: {  	_ = 	snop  }
0x3c: {  	p2 =	seq.s32 s10, $0x1;
	s10 =	sld [smem:$0x3FB0]  }
0x3d: {  	_ =	shalt  }
0x3e: {  	_ =	shalt  }
0x3f: {  	_ =	shalt  }
0x40: {  	_ =	shalt  }
0x41: {  	_ =	shalt  }
0x42: {  	_ =	shalt  }
0x43: {  	_ =	shalt  }
0x44: {  	_ =	shalt  }
0x45: {  	_ =	shalt  }
0x46: {  	_ =	shalt  }
0x47: {  	_ =	shalt  }
0x48: {  	_ =	shalt  }
0x49: {  	_ =	shalt  }
0x4a: {  	_ =	shalt  }
0x4b: {  	_ =	shalt  }
0x4c: {  	_ =	shalt  }
0x4d: {  	_ =	shalt  }
0x4e: {  	_ =	shalt  }
0x4f: {  	_ =	shalt  }
0x50: {  	_ =	shalt  }
0x51: {  	_ =	shalt  }
0x52: {  	_ =	shalt  }
0x53: {  	_ =	shalt  }
0x54: {  	_ =	shalt  }
0x55: {  	_ =	shalt  }
0x56: {  	_ =	shalt  }
0x57: {  	_ =	shalt  }
0x58: {  	_ =	shalt  }
0x59: {  	_ =	shalt  }
0x5a: {  	_ =	shalt  }
0x5b: {  	_ =	shalt  }
0x5c: {  	_ =	shalt  }
0x5d: {  	_ =	shalt  }
0x5e: {  	_ =	shalt  }
0x5f: {  	_ =	shalt  }
0x60: {  	_ =	shalt  }
0x61: {  	_ =	shalt  }
0x62: {  	_ =	shalt  }
0x63: {  	_ =	shalt  }
0x64: {  	_ =	shalt  }
0x65: {  	_ =	shalt  }
0x66: {  	_ =	shalt  }
0x67: {  	_ =	shalt  }
0x68: {  	_ =	shalt  }
0x69: {  	_ =	shalt  }
0x6a: {  	_ =	shalt  }
0x6b: {  	_ =	shalt  }
0x6c: {  	_ =	shalt  }
0x6d: {  	_ =	shalt  }
0x6e: {  	_ =	shalt  }
0x6f: {  	_ =	shalt  }
0x70: {  	_ =	shalt  }
0x71: {  	_ =	shalt  }
0x72: {  	_ =	shalt  }
0x73: {  	_ =	shalt  }
0x74: {  	_ =	shalt  }
0x75: {  	_ =	shalt  }
0x76: {  	_ =	shalt  }
0x77: {  	_ =	shalt  }
0x78: {  	_ =	shalt  }
0x79: {  	_ =	shalt  }
0x7a: {  	_ =	shalt  }
0x7b: {  	_ =	shalt  }
0x7c: {  	_ =	shalt  }
0x7d: {  	_ =	shalt  }
0x7e: {  	_ =	shalt  }
0x7f: {  	_ =	shalt  }
0x80: {  	_ =	shalt  }
0x81: {  	_ =	shalt  }
0x82: {  	_ =	shalt  }
0x83: {  	_ =	shalt  }
0x84: {  	_ =	shalt  }
0x85: {  	_ =	shalt  }
0x86: {  	_ =	shalt  }
0x87: {  	_ =	shalt  }
.Lfunc_end0:
.L_simem_size_0:
called_computation.1_lowered:
.L_overlay_start_0:
0x88: {  	s2 =	sld [smem:$0x3FD9]  }
0x89: {  	s3 =	sld [smem:$0x3FFE];
	_ =	sdelay $0x1  }
0x8a: {  	s1 =	srdreg.scid  }
0x8b: {  	s0 =	sand.u32 $0x1, s1  }
0x8c: {  	s17 =	sshll.u32 s0, $0xA;
	s2 =	sadd.s32 s3, s2  }
0x8d: {  	s2 =	sadd.s32 s2, s17  }
0x8e: {  	[smem:$0x3FBC] =	sst s2  }
0x8f: {  	_ = 	snop  }
0x90: {  	s2 =	sld [smem:$0x3FD0];
	(tm) =	ssettm $0x1  }
0x91: {  	s18 =	sld [smem:$0x3FFB];
	_ =	sdelay $0x3  }
0x92: {  	_ =	strace s18  }
0x93: {  	s3 =	sld [smem:$0x3FFC];
	_ =	sdelay $0x3  }
0x94: {  	_ =	strace s3  }
0x95: {  	s3 =	sld [smem:$0x3FFD];
	_ =	sdelay $0x3  }
0x96: {  	_ =	strace s3  }
0x97: {  	_ =	strace $0x8FFFFFFF  }
0x98: {  	s19 =	sld [smem:$0x3FDB];
	_ =	sdelay $0x1  }
0x99: {  	s4 =	simm.s32 $_scs_section_size  }
0x9a: {  	s5 =	simm.s32 $_size__tile_overlayer_lowered;
	s6 =	simm.s32 $_tile_overlayer_lowered  }
0x9b: {  	s22 =	simm.s32 $0x1BFF;
	s21 =	sshll.u32 s6, $0x1;
	s3 =	sadd.s32 s4, s19  }
0x9c: {  	s7 =	simm.s32 $0x0;
	s20 =	sshll.u32 s5, $0x1;
	s5 =	sadd.s32 s21, s3  }
0x9d: {  	[timem:s7], [sflag:s22] =	dma.local [hbm:s5], s20  }
0x9e: {  	_ =	swait.ge [sflag:s22], s20  }
0x9f: {  	s4 =	ssub.s32 $0x0, s20;
	[sflag:s22] =	ssyncset.done $0x0  }
0xa0: {  	[sflag:s22] =	ssyncadd.s32 s4;
	_ =	sdelay $0x1  }
0xa1: {  	s23 =	simm.s32 $0x1B8B  }
0xa2: {  	_ =	swait.ge [sflag:s23], $0x1  }
0xa3: {  	[sflag:s23] =	ssyncset.done $0x0  }
0xa4: {  	s25 =	simm.s32 $0x1B8E;
	s24 =	sld [smem:$0x3FFE];
	[sflag:s23] =	ssyncadd.s32 $0xFFFFFFFF  }
0xa5: {  	s26 =	simm.s32 $execute0_lowered;
	[smem:$0x3FD2] =	sst s25  }
0xa6: {  	s5 =	sshll.u32 s26, $0x1;
	_ =	strace $0x80000049;
	[dreg:$0x1] =	wrdreg $0xFFFFFFFF  }
0xa7: {  	s28 =	simm.s32 $_size_execute0_lowered;
	s3 =	sadd.s32 s3, s5;
	[dreg:$0x0] =	wrdreg $0x0  }
0xa8: {  	s5 =	sshll.u32 s28, $0x1;
	[dreg:$0x2] =	wrdreg s3  }
0xa9: {  	[dreg:$0x3] =	wrdreg s5  }
0xaa: {  	[dreg:$0x4] =	wrdreg $0xC0  }
0xab: {  	_ =	task [dreg:s7], $0x5FFFF  }
0xac: {  	[dreg:$0x1] =	wrdreg $0xFFFFFFFF  }
0xad: {  	[dreg:$0x0] =	wrdreg $0x60  }
0xae: {  	[dreg:$0x2] =	wrdreg s2  }
0xaf: {  	[dreg:$0x3] =	wrdreg s24  }
0xb0: {  	[dreg:$0x4] =	wrdreg $0xA8000  }
0xb1: {  	[dreg:$0x5] =	wrdreg $0x9  }
0xb2: {  	_ =	task.clear_ibuf [dreg:s7], $0x6FFFF;
	_ =	strace $0x90000049  }
0xb3: {  	s29 =	simm.s32 $0x9;
	_ =	strace $0x8000004B  }
0xb4: {  	_ =	swait.ge [sflag:s29], $0x1  }
0xb5: {  	[sflag:s29] =	ssyncadd.s32 $0xFFFFFFFF  }
0xb6: {  	_ =	strace $0x9000004B  }
0xb7: {  	_ =	sfence  }
0xb8: {  	s30 =	sld [smem:$0x0];
	_ =	sdelay $0x2  }
0xb9: {  	s31 =	sshll.u32 s1, $0xD;
	s1 =	sshrl.u32 s1, $0x2  }
0xba: {  	s3 =	sand.u32 $0x4000, s31;
	s1 =	sadd.s32 s1, s30  }
0xbb: {  	s0 =	sor.u32 s3, s0;
	s1 =	sshll.u32 s1, $0x11  }
0xbc: {  	s0 =	sor.u32 s1, s0  }
0xbd: {  	s0 =	sadd.s32 $0x8F2B, s0  }
0xbe: {  	[sflag:s0] =	ssyncadd.remote.s32 $0x1  }
0xbf: {  	_ =	sfence.sel $0xFFFF  }
0xc0: {  	[dreg:$0x0] =	wrdreg $0xFFFFFFFF;
	(pc) =	sbr.abs _section_cstart, $3  }
0xc1: {  	[dreg:$0x1] =	wrdreg $0xFFFFFFFF  }
0xc2: {  	_ =	task.clear_ibuf [dreg:s7], $0x2FFFF;
	_ =	strace $0x9FFFFFFF  }
0xc3: {  	(tm) =	ssettm $0x7FFFFFFF  }
tec
execute0_lowered:
.L_overlay_start_1:
0x0: {  	(tag) =	ssettag $0x1  }
0x1: {  	s1 =	rddreg [dreg:$0x0]  }
0x2: {  	s6 =	rddreg [dreg:$0x1]  }
0x3: {  	s3 =	rddreg [dreg:$0x2]  }
0x4: {  	s0 =	rddreg [dreg:$0x3]  }
0x5: {  	s5 =	srdreg.scid;
	s4 =	simm.s32 $0x0;
	s2 =	stileid.u32  }
0x6: {  	s18 =	simm.s32 $0x2;
	s19 =	simm.s32 $0x4000;
	s20 =	simm.s32 $0x8000  }
0x7: {  	s21 =	simm.s32 $0x50;
	s22 =	simm.s32 $0x1;
	s25 =	simm.s32 $0x0  }
0x8: {  	s5 =	sand.u32 $0x1, s5;
	s8 =	sshll.u32 s2, $0xB;
	s29 =	smul.u32 $0x14000, s2  }
0x9: {  	[smem:$0x7FF] =	sst s4;
	s10 =	smul.u32 $0x50000, s2;
	s23 =	sshll.u32 s2, $0x6  }
0xa: {  	s7 =	sshll.u32 s5, $0xF;
	s9 =	smul.u32 $0x140000, s5;
	_ =	strace $0x8000004A  }
0xb: {  	s30 =	ssub.s32 $0x2, s5;
	s5 =	sadd.s32 $0x22800, s6;
	s23 =	sor.u32 $0x1C02, s23  }
0xc: {  	s7 =	sor.u32 s8, s7;
	s11 =	sshrl.u32 s30, $0x1;
	s8 =	sadd.s32 s29, s9  }
0xd: {  	s31 =	sshrl.u32 s10, $0x2;
	s17 =	ssub.s32 s30, s11;
	s8 =	sshrl.u32 s8, $0x3  }
0xe: {  	s7 =	sadd.s32 s7, s6;
	s17 =	smax.u32 s17, $0x1;
	s16 =	sadd.s32 s8, s6  }
0xf: {  	s6 =	sadd.s32 $0x12800, s7;
	s7 =	sadd.s32 $0x2800, s7;
	s8 =	sadd.s32 s31, s3  }
0x10: {  	s9 =	sadd.s32 $0x2800, s8;
	s10 =	sadd.s32 $0x5000, s8;
	s11 =	sadd.s32 $0x7800, s8  }
0x11: {  	s12 =	sadd.s32 $0xA000, s8;
	s13 =	sadd.s32 $0xC800, s8;
	s14 =	sadd.s32 $0xF000, s8  }
0x12: {  	s15 =	sadd.s32 $0x11800, s8;
	s16 =	sadd.s32 $0x22E00, s16;
	s24 =	sshrl.u32 s8, $0x3  }
.LBB2_1:
0x13: {  	[tilespmem:s4], [sflag:$0x2] =	stream.linear.gather [hbm4b:s6+s4], $0x3E80, $0x38;
	[tilespmem:$0x1E800] =	vst v63  }
0x14: {  	_ =	swait.ge [sflag:s18], $0x3E80  }
0x15: {  	[sflag:s18] =	ssyncset.done $0x0  }
0x16: {  	[sflag:s18] =	ssyncadd.s32 $0xFFFFC180  }
0x17: {  	[tilespmem:s19], [sflag:$0x2] =	stream.linear.gather [hbm4b:s7+s4], $0x3E80, $0x38;
	[tilespmem:$0x1E800] =	vst v63  }
0x18: {  	_ =	swait.ge [sflag:s18], $0x3E80  }
0x19: {  	[sflag:s18] =	ssyncset.done $0x0  }
0x1a: {  	[sflag:s18] =	ssyncadd.s32 $0xFFFFC180  }
0x1b: {  	[tilespmem:s20], [sflag:$0x2] =	stream.linear.gather [hbm4b:s5+s4], $0x2800, $0x38;
	[tilespmem:$0x1E800] =	vst v63  }
0x1c: {  	_ =	swait.ge [sflag:s18], $0x2800  }
0x1d: {  	[sflag:s18] =	ssyncset.done $0x0  }
0x1e: {  	[sflag:s18] =	ssyncadd.s32 $0xFFFFD800  }
0x1f: {  	[spmem:s8] =	stream.linear.scatter [tilespmem:s20], [sflag:$0x2], $0x2800, $0x38;
	[tilespmem:$0x1E800] =	vst v63  }
0x20: {  	_ =	swait.ge [sflag:s18], $0x2800  }
0x21: {  	[sflag:s18] =	ssyncset.done $0x0  }
0x22: {  	[sflag:s18] =	ssyncadd.s32 $0xFFFFD800  }
0x23: {  	[spmem:s9] =	stream.linear.scatter [tilespmem:s20], [sflag:$0x2], $0x2800, $0x38;
	[tilespmem:$0x1E800] =	vst v63  }
0x24: {  	_ =	swait.ge [sflag:s18], $0x2800  }
0x25: {  	[sflag:s18] =	ssyncset.done $0x0  }
0x26: {  	[sflag:s18] =	ssyncadd.s32 $0xFFFFD800  }
0x27: {  	[spmem:s10] =	stream.linear.scatter [tilespmem:s20], [sflag:$0x2], $0x2800, $0x38;
	[tilespmem:$0x1E800] =	vst v63  }
0x28: {  	_ =	swait.ge [sflag:s18], $0x2800  }
0x29: {  	[sflag:s18] =	ssyncset.done $0x0  }
0x2a: {  	[sflag:s18] =	ssyncadd.s32 $0xFFFFD800  }
0x2b: {  	[spmem:s11] =	stream.linear.scatter [tilespmem:s20], [sflag:$0x2], $0x2800, $0x38;
	[tilespmem:$0x1E800] =	vst v63  }
0x2c: {  	_ =	swait.ge [sflag:s18], $0x2800  }
0x2d: {  	[sflag:s18] =	ssyncset.done $0x0  }
0x2e: {  	[sflag:s18] =	ssyncadd.s32 $0xFFFFD800  }
0x2f: {  	[spmem:s12] =	stream.linear.scatter [tilespmem:s20], [sflag:$0x2], $0x2800, $0x38;
	[tilespmem:$0x1E800] =	vst v63  }
0x30: {  	_ =	swait.ge [sflag:s18], $0x2800  }
0x31: {  	[sflag:s18] =	ssyncset.done $0x0  }
0x32: {  	[sflag:s18] =	ssyncadd.s32 $0xFFFFD800  }
0x33: {  	[spmem:s13] =	stream.linear.scatter [tilespmem:s20], [sflag:$0x2], $0x2800, $0x38;
	[tilespmem:$0x1E800] =	vst v63  }
0x34: {  	_ =	swait.ge [sflag:s18], $0x2800  }
0x35: {  	[sflag:s18] =	ssyncset.done $0x0  }
0x36: {  	[sflag:s18] =	ssyncadd.s32 $0xFFFFD800  }
0x37: {  	[spmem:s14] =	stream.linear.scatter [tilespmem:s20], [sflag:$0x2], $0x2800, $0x38;
	[tilespmem:$0x1E800] =	vst v63  }
0x38: {  	_ =	swait.ge [sflag:s18], $0x2800  }
0x39: {  	[sflag:s18] =	ssyncset.done $0x0  }
0x3a: {  	[sflag:s18] =	ssyncadd.s32 $0xFFFFD800  }
0x3b: {  	[spmem:s15] =	stream.linear.scatter [tilespmem:s20], [sflag:$0x2], $0x2800, $0x38;
	[tilespmem:$0x1E800] =	vst v63  }
0x3c: {  	_ =	swait.ge [sflag:s18], $0x2800  }
0x3d: {  	[sflag:s18] =	ssyncset.done $0x0  }
0x3e: {  	[sflag:s18] =	ssyncadd.s32 $0xFFFFD800  }
0x3f: {  	s26 =	simm.s32 $0x0;
	[bflag:$0x0] =	sbarrier.arrive $0xFFFF  }
0x40: {  	[tilespmem:s20], [sflag:$0x1] =	stream.indirect.gather [hbm4b:s1+s21], $0x80, s26, s21, $0xb8;
	[tilespmem:$0x1E800] =	vst v63  }
0x41: {  	_ =	swait.ge [sflag:s22], $0x2800  }
0x42: {  	[sflag:s22] =	ssyncset.done $0x0  }
0x43: {  	s31 =	simm.s32 $0x4000;
	[sflag:s22] =	ssyncadd.s32 $0xFFFFD800  }
0x44: {  	[spmem:s3] =	stream.indirect.scatter.add.f32 [tilespmem:s20], [sflag:$0x2], $0x80, s31, s21, $0xb8;
	[tilespmem:$0x1E800] =	vst v63  }
0x45: {  	_ =	swait.ge [sflag:s18], $0x2800  }
0x46: {  	s28 =	simm.s32 $0x400;
	s26 =	simm.s32 $0x200;
	[sflag:s18] =	ssyncset.done $0x0  }
.LBB2_2:
0x47: {  	s29 =	sshra.s32 s26, $0x2  }
0x48: {  	[sflag:s18] =	ssyncadd.s32 $0xFFFFD800;
	s26 =	smov.u32 s28;
	s30 =	sadd.s32 $0x200, s28  }
0x49: {  	[tilespmem:s20], [sflag:$0x1] =	stream.indirect.gather [hbm4b:s1+s21], $0x80, s29, s21, $0xb8;
	[tilespmem:$0x1E800] =	vst v63  }
0x4a: {  	p0 =	sne.s32 s28, $0xF800;
	_ =	swait.ge [sflag:s22], $0x2800  }
.Ltmp0:
0x4b: {  	[sflag:s22] =	ssyncset.done $0x0;
	(pc) =	sbr.rel @p0 .LBB2_2-.Ltmp0, $4  }
0x4c: {  	s28 =	sadd.s32 $0x4000, s29;
	[sflag:s22] =	ssyncadd.s32 $0xFFFFD800  }
0x4d: {  	[spmem:s3] =	stream.indirect.scatter.add.f32 [tilespmem:s20], [sflag:$0x2], $0x80, s28, s21, $0xb8;
	[tilespmem:$0x1E800] =	vst v63  }
0x4e: {  	_ =	swait.ge [sflag:s18], $0x2800  }
0x4f: {  	s28 =	smov.u32 s30;
	[sflag:s18] =	ssyncset.done $0x0  }
0x50: {  	s26 =	sshra.s32 s26, $0x2;
	[sflag:s18] =	ssyncadd.s32 $0xFFFFD800  }
0x51: {  	[tilespmem:s20], [sflag:$0x1] =	stream.indirect.gather [hbm4b:s1+s21], $0x80, s26, s21, $0xb8;
	[tilespmem:$0x1E800] =	vst v63  }
0x52: {  	_ =	swait.ge [sflag:s22], $0x2800  }
0x53: {  	[sflag:s22] =	ssyncset.done $0x0  }
0x54: {  	s26 =	sadd.s32 $0x4000, s26;
	[sflag:s22] =	ssyncadd.s32 $0xFFFFD800  }
0x55: {  	[spmem:s3] =	stream.indirect.scatter.add.f32 [tilespmem:s20], [sflag:$0x2], $0x80, s26, s21, $0xb8;
	[tilespmem:$0x1E800] =	vst v63  }
0x56: {  	_ =	swait.ge [sflag:s18], $0x2800  }
0x57: {  	s25 =	sadd.s32 $0x1, s25;
	[sflag:s18] =	ssyncset.done $0x0  }
0x58: {  	p0 =	sne.s32 s25, s17;
	[sflag:s18] =	ssyncadd.s32 $0xFFFFD800  }
.Ltmp1:
0x59: {  	[bflag:$0x0] =	sbarrier.arrive $0xFFFF;
	(pc) =	sbr.rel @p0 .LBB2_1-.Ltmp1, $4  }
0x5a: {  	[hbm:s16], [sflag:s23] =	dma.local [spmem:s24], $0x2800  }
0x5b: {  	_ =	swait.ge [sflag:s18], $0x2800  }
0x5c: {  	[sflag:s18] =	ssyncset.done $0x0  }
0x5d: {  	[sflag:s18] =	ssyncadd.s32 $0xFFFFD800  }
0x5e: {  	_ =	sfence.sel $0x180000  }
0x5f: {  	[bflag:$0x0] =	sbarrier.arrive $0xFFFF  }
0x60: {  	p0 =	sne.s32 s2, $0x0;
	_ =	strace $0x9000004A  }
0x61: {  	s0 =	sadd.s32 @!p0 $0x100000, s0;
	[bflag:$0x2] =	sbarrier.arrive $0xFFFF  }
0x62: {  	[sflag:s0] =	ssyncadd.tile.s32 @!p0 $0x1;
	_ =	shalt  }
.Lfunc_end2:
_tile_overlayer_lowered:
.L_overlay_start_2:
0x63: {  	(tag) =	ssettag $0x2  }
0x64: {  	s0 =	rddreg [dreg:$0x0];
	s2 =	stileid.u32  }
0x65: {  	s1 =	rddreg [dreg:$0x1];
	p0 =	sne.s32 s2, $0x0  }
0x66: {  	s3 =	rddreg [dreg:$0x2];
	[bflag:$0x3] =	sbarrier.arrive $0xFFFF;
	s2 =	simm.s32 @!p0 $0x1C02  }
0x67: {  	[timem:s3], [sflag:s2] =	dma.local @!p0 [hbm:s0], s1  }
0x68: {  	s0 =	simm.s32 @!p0 $0x2  }
0x69: {  	_ =	swait.ge @!p0 [sflag:s0], s1  }
0x6a: {  	s1 =	ssub.s32 @!p0 $0x0, s1;
	[sflag:s0] =	ssyncset.done @!p0 $0x0  }
0x6b: {  	[sflag:s0] =	ssyncadd.s32 @!p0 s1  }
0x6c: {  	[bflag:$0x3] =	sbarrier.arrive $0xFFFF  }
0x6d: {  	_ =	shalt  }

// kernel: kernel.15.cloned.1.call-start
scs
__scs_entry_jumppad:
0x0: {  	(pc) =	sbr.rel $0x88, $3  }
0x1: {  	(tag) =	ssettag $0x0;
	lr =	simm.s32 $0x1  }
0x2: {  	[smem:$0x3F95] =	sst lr;
	_ =	strace $0xD0000000  }
0x3: {  	_ = 	snop  }
0x4: {  	_ = 	snop  }
0x5: {  	_ = 	snop  }
0x6: {  	_ = 	snop  }
0x7: {  	_ = 	snop  }
__scs_overlays_trampoline_lowered:
0x8: {  	[smem:$0x3FA4] =	sst s0  }
0x9: {  	[smem:$0x3FA5] =	sst s1  }
0xa: {  	[smem:$0x3FA6] =	sst s2  }
0xb: {  	[smem:$0x3FA7] =	sst s3  }
0xc: {  	[smem:$0x3FA8] =	sst s4  }
0xd: {  	[smem:$0x3FA9] =	sst s5  }
0xe: {  	[smem:$0x3FAA] =	sst s6  }
0xf: {  	[smem:$0x3FAB] =	sst s7  }
0x10: {  	[smem:$0x3FAC] =	sst s8  }
0x11: {  	[smem:$0x3FAD] =	sst s9;
	s0 =	simm.s32 @!p0 $0x0  }
0x12: {  	s1 =	sld [smem:$0x3F93];
	s0 =	simm.s32 @p0 $0x1  }
0x13: {  	[smem:$0x3FAE] =	sst s0;
	s0 =	simm.s32 @!p1 $0x0  }
0x14: {  	s2 =	sld [smem:$0x3F92];
	s0 =	simm.s32 @p1 $0x1  }
0x15: {  	[smem:$0x3FAF] =	sst s0;
	s0 =	simm.s32 @!p2 $0x0  }
0x16: {  	s3 =	sld [smem:$0x3FDB];
	s0 =	simm.s32 @p2 $0x1  }
0x17: {  	s4 =	simm.s32 $0x1BF5;
	[smem:$0x3FB1] =	sst s0  }
0x18: {  	s0 =	sld [smem:$0x3F94];
	_ =	swait.ge [sflag:s4], $0x0  }
0x19: {  	s7 =	sld [smem:$0x3F95]  }
0x1a: {  	s8 =	sadd.s32 $0xFFFFE003, lr  }
0x1b: {  	s9 =	sadd.s32 $0xFFFFFEF7, lr;
	s5 =	simm.s32 $0xFFFFFFFF;
	p2 =	slt.u32 s8, $0xFFFFF086  }
0x1c: {  	p1 =	slt.u32 s9, $0xF7A;
	s5 =	simm.s32 @!p2 $0x0  }
0x1d: {  	s5 =	simm.s32 @p1 $0x1;
	p0 =	seq.s32 s7, s2  }
0x1e: {  	s7 =	smul.u32 @!p0 $0xF7A, s2;
	p2 =	seq.s32 @!p0 s5, $0x0  }
0x1f: {  	s9 =	smul.u32 $0xF7A, s1;
	s8 =	simm.s32 @!p0 $0x1BF5;
	p2 =	por !p2, p0  }
0x20: {  	[sflag:s8] =	ssyncset.s32 @!p0 $0xFFFFF086;
	s6 =	sadd.s32 @!p0 s3, s7;
	s7 =	simm.s32 @!p0 $0x108  }
0x21: {  	s3 =	sadd.s32 s3, s9;
	s6 =	sadd.s32 @!p0 $0x88, s6;
	s7 =	simm.s32 @p2 $0x1082  }
0x22: {  	[simem:s7], [sflag:s8] =	dma.local @!p0 [hbm:s6], $0xF7A  }
0x23: {  	s9 =	sor.u32 $0xD0000000, s2;
	s6 =	simm.s32 $0x108;
	_ =	swait.ge @!p0 [sflag:s8], $0x0  }
0x24: {  	s3 =	sadd.s32 $0x88, s3;
	s6 =	simm.s32 @!p1 $0x1082;
	[sflag:s4] =	ssyncset.s32 $0xFFFFF086  }
0x25: {  	[simem:s6], [sflag:s4] =	dma.local [hbm:s3], $0xF7A  }
0x26: {  	[smem:$0x3F95] =	sst s1;
	(tag) =	ssettag s2;
	_ =	strace s9  }
0x27: {  	s1 =	sld [smem:$0x3FA5]  }
0x28: {  	s2 =	sld [smem:$0x3FA6]  }
0x29: {  	s4 =	sld [smem:$0x3FA8]  }
0x2a: {  	p0 =	seq.s32 s5, $0x0;
	s5 =	sld [smem:$0x3FA9]  }
0x2b: {  	s6 =	sld [smem:$0x3FAA]  }
0x2c: {  	s7 =	sld [smem:$0x3FAB]  }
0x2d: {  	s3 =	simm.s32 $0x108;
	s8 =	sld [smem:$0x3FAC]  }
0x2e: {  	s3 =	simm.s32 @!p0 $0x1082;
	s9 =	sld [smem:$0x3FAD]  }
0x2f: {  	lr =	sadd.s32 s0, s3;
	s0 =	sld [smem:$0x3FA4]  }
0x30: {  	s3 =	sld [smem:$0x3FA7]  }
0x31: {  	[smem:$0x3FB0] =	sst s10  }
0x32: {  	s10 =	sld [smem:$0x3FAE];
	_ =	sdelay $0x3  }
0x33: {  	p0 =	seq.s32 s10, $0x1;
	s10 =	sld [smem:$0x3FB0];
	_ =	sdelay $0x3  }
0x34: {  	[smem:$0x3FB0] =	sst s10  }
0x35: {  	s10 =	sld [smem:$0x3FAF];
	_ =	sdelay $0x3  }
0x36: {  	p1 =	seq.s32 s10, $0x1;
	s10 =	sld [smem:$0x3FB0];
	_ =	sdelay $0x3  }
0x37: {  	[smem:$0x3FB0] =	sst s10  }
0x38: {  	s10 =	sld [smem:$0x3FB1]  }
0x39: {  	_ = 	snop;
	(pc) =	sbr.ind lr, $3  }
0x3a: {  	_ = 	snop  }
0x3b: {  	_ = 	snop  }
0x3c: {  	p2 =	seq.s32 s10, $0x1;
	s10 =	sld [smem:$0x3FB0]  }
0x3d: {  	_ =	shalt  }
0x3e: {  	_ =	shalt  }
0x3f: {  	_ =	shalt  }
0x40: {  	_ =	shalt  }
0x41: {  	_ =	shalt  }
0x42: {  	_ =	shalt  }
0x43: {  	_ =	shalt  }
0x44: {  	_ =	shalt  }
0x45: {  	_ =	shalt  }
0x46: {  	_ =	shalt  }
0x47: {  	_ =	shalt  }
0x48: {  	_ =	shalt  }
0x49: {  	_ =	shalt  }
0x4a: {  	_ =	shalt  }
0x4b: {  	_ =	shalt  }
0x4c: {  	_ =	shalt  }
0x4d: {  	_ =	shalt  }
0x4e: {  	_ =	shalt  }
0x4f: {  	_ =	shalt  }
0x50: {  	_ =	shalt  }
0x51: {  	_ =	shalt  }
0x52: {  	_ =	shalt  }
0x53: {  	_ =	shalt  }
0x54: {  	_ =	shalt  }
0x55: {  	_ =	shalt  }
0x56: {  	_ =	shalt  }
0x57: {  	_ =	shalt  }
0x58: {  	_ =	shalt  }
0x59: {  	_ =	shalt  }
0x5a: {  	_ =	shalt  }
0x5b: {  	_ =	shalt  }
0x5c: {  	_ =	shalt  }
0x5d: {  	_ =	shalt  }
0x5e: {  	_ =	shalt  }
0x5f: {  	_ =	shalt  }
0x60: {  	_ =	shalt  }
0x61: {  	_ =	shalt  }
0x62: {  	_ =	shalt  }
0x63: {  	_ =	shalt  }
0x64: {  	_ =	shalt  }
0x65: {  	_ =	shalt  }
0x66: {  	_ =	shalt  }
0x67: {  	_ =	shalt  }
0x68: {  	_ =	shalt  }
0x69: {  	_ =	shalt  }
0x6a: {  	_ =	shalt  }
0x6b: {  	_ =	shalt  }
0x6c: {  	_ =	shalt  }
0x6d: {  	_ =	shalt  }
0x6e: {  	_ =	shalt  }
0x6f: {  	_ =	shalt  }
0x70: {  	_ =	shalt  }
0x71: {  	_ =	shalt  }
0x72: {  	_ =	shalt  }
0x73: {  	_ =	shalt  }
0x74: {  	_ =	shalt  }
0x75: {  	_ =	shalt  }
0x76: {  	_ =	shalt  }
0x77: {  	_ =	shalt  }
0x78: {  	_ =	shalt  }
0x79: {  	_ =	shalt  }
0x7a: {  	_ =	shalt  }
0x7b: {  	_ =	shalt  }
0x7c: {  	_ =	shalt  }
0x7d: {  	_ =	shalt  }
0x7e: {  	_ =	shalt  }
0x7f: {  	_ =	shalt  }
0x80: {  	_ =	shalt  }
0x81: {  	_ =	shalt  }
0x82: {  	_ =	shalt  }
0x83: {  	_ =	shalt  }
0x84: {  	_ =	shalt  }
0x85: {  	_ =	shalt  }
0x86: {  	_ =	shalt  }
0x87: {  	_ =	shalt  }
.Lfunc_end0:
.L_simem_size_0:
called_computation.2_lowered:
.L_overlay_start_0:
0x88: {  	s2 =	sld [smem:$0x3FD9]  }
0x89: {  	s3 =	sld [smem:$0x3FFE];
	_ =	sdelay $0x1  }
0x8a: {  	s1 =	srdreg.scid  }
0x8b: {  	s0 =	sand.u32 $0x1, s1  }
0x8c: {  	s17 =	sshll.u32 s0, $0xA;
	s2 =	sadd.s32 s3, s2  }
0x8d: {  	s2 =	sadd.s32 s2, s17  }
0x8e: {  	[smem:$0x3FBC] =	sst s2  }
0x8f: {  	_ = 	snop  }
0x90: {  	s2 =	sld [smem:$0x3FD0];
	(tm) =	ssettm $0x1  }
0x91: {  	s18 =	sld [smem:$0x3FFB];
	_ =	sdelay $0x3  }
0x92: {  	_ =	strace s18  }
0x93: {  	s3 =	sld [smem:$0x3FFC];
	_ =	sdelay $0x3  }
0x94: {  	_ =	strace s3  }
0x95: {  	s3 =	sld [smem:$0x3FFD];
	_ =	sdelay $0x3  }
0x96: {  	_ =	strace s3  }
0x97: {  	_ =	strace $0x8FFFFFFF  }
0x98: {  	s19 =	sld [smem:$0x3FDB];
	_ =	sdelay $0x1  }
0x99: {  	s4 =	simm.s32 $_scs_section_size  }
0x9a: {  	s5 =	simm.s32 $_size__tile_overlayer_lowered;
	s6 =	simm.s32 $_tile_overlayer_lowered  }
0x9b: {  	s22 =	simm.s32 $0x1BFF;
	s21 =	sshll.u32 s6, $0x1;
	s3 =	sadd.s32 s4, s19  }
0x9c: {  	s7 =	simm.s32 $0x0;
	s20 =	sshll.u32 s5, $0x1;
	s5 =	sadd.s32 s21, s3  }
0x9d: {  	[timem:s7], [sflag:s22] =	dma.local [hbm:s5], s20  }
0x9e: {  	_ =	swait.ge [sflag:s22], s20  }
0x9f: {  	s4 =	ssub.s32 $0x0, s20;
	[sflag:s22] =	ssyncset.done $0x0  }
0xa0: {  	[sflag:s22] =	ssyncadd.s32 s4;
	_ =	sdelay $0x1  }
0xa1: {  	s23 =	simm.s32 $0x1B8B  }
0xa2: {  	_ =	swait.ge [sflag:s23], $0x1  }
0xa3: {  	[sflag:s23] =	ssyncset.done $0x0  }
0xa4: {  	s25 =	simm.s32 $0x1B8E;
	s24 =	sld [smem:$0x3FFE];
	[sflag:s23] =	ssyncadd.s32 $0xFFFFFFFF  }
0xa5: {  	s26 =	simm.s32 $execute0_lowered;
	[smem:$0x3FD2] =	sst s25  }
0xa6: {  	s5 =	sshll.u32 s26, $0x1;
	_ =	strace $0x8000004C;
	[dreg:$0x1] =	wrdreg $0xFFFFFFFF  }
0xa7: {  	s28 =	simm.s32 $_size_execute0_lowered;
	s3 =	sadd.s32 s3, s5;
	[dreg:$0x0] =	wrdreg $0x0  }
0xa8: {  	s5 =	sshll.u32 s28, $0x1;
	[dreg:$0x2] =	wrdreg s3  }
0xa9: {  	[dreg:$0x3] =	wrdreg s5  }
0xaa: {  	[dreg:$0x4] =	wrdreg $0xC0  }
0xab: {  	_ =	task [dreg:s7], $0x5FFFF  }
0xac: {  	[dreg:$0x1] =	wrdreg $0xFFFFFFFF  }
0xad: {  	[dreg:$0x0] =	wrdreg $0x60  }
0xae: {  	[dreg:$0x2] =	wrdreg s2  }
0xaf: {  	[dreg:$0x3] =	wrdreg s24  }
0xb0: {  	[dreg:$0x4] =	wrdreg $0xA8000  }
0xb1: {  	[dreg:$0x5] =	wrdreg $0x9  }
0xb2: {  	_ =	task.clear_ibuf [dreg:s7], $0x6FFFF;
	_ =	strace $0x9000004C  }
0xb3: {  	s29 =	simm.s32 $0x9;
	_ =	strace $0x8000004E  }
0xb4: {  	_ =	swait.ge [sflag:s29], $0x1  }
0xb5: {  	[sflag:s29] =	ssyncadd.s32 $0xFFFFFFFF  }
0xb6: {  	_ =	strace $0x9000004E  }
0xb7: {  	_ =	sfence  }
0xb8: {  	s30 =	sld [smem:$0x0];
	_ =	sdelay $0x2  }
0xb9: {  	s31 =	sshll.u32 s1, $0xD;
	s1 =	sshrl.u32 s1, $0x2  }
0xba: {  	s3 =	sand.u32 $0x4000, s31;
	s1 =	sadd.s32 s1, s30  }
0xbb: {  	s0 =	sor.u32 s3, s0;
	s1 =	sshll.u32 s1, $0x11  }
0xbc: {  	s0 =	sor.u32 s1, s0  }
0xbd: {  	s0 =	sadd.s32 $0x8F2B, s0  }
0xbe: {  	[sflag:s0] =	ssyncadd.remote.s32 $0x1  }
0xbf: {  	_ =	sfence.sel $0xFFFF  }
0xc0: {  	[dreg:$0x0] =	wrdreg $0xFFFFFFFF;
	(pc) =	sbr.abs _section_cstart, $3  }
0xc1: {  	[dreg:$0x1] =	wrdreg $0xFFFFFFFF  }
0xc2: {  	_ =	task.clear_ibuf [dreg:s7], $0x2FFFF;
	_ =	strace $0x9FFFFFFF  }
0xc3: {  	(tm) =	ssettm $0x7FFFFFFF  }
tec
execute0_lowered:
.L_overlay_start_1:
0x0: {  	(tag) =	ssettag $0x1  }
0x1: {  	s1 =	rddreg [dreg:$0x0]  }
0x2: {  	s6 =	rddreg [dreg:$0x1]  }
0x3: {  	s3 =	rddreg [dreg:$0x2]  }
0x4: {  	s0 =	rddreg [dreg:$0x3]  }
0x5: {  	s5 =	srdreg.scid;
	s4 =	simm.s32 $0x0;
	s2 =	stileid.u32  }
0x6: {  	s18 =	simm.s32 $0x2;
	s19 =	simm.s32 $0x4000;
	s20 =	simm.s32 $0x8000  }
0x7: {  	s21 =	simm.s32 $0x50;
	s22 =	simm.s32 $0x1;
	s25 =	simm.s32 $0x0  }
0x8: {  	s5 =	sand.u32 $0x1, s5;
	s8 =	sshll.u32 s2, $0xB;
	s29 =	smul.u32 $0x14000, s2  }
0x9: {  	[smem:$0x7FF] =	sst s4;
	s10 =	smul.u32 $0x50000, s2;
	s23 =	sshll.u32 s2, $0x6  }
0xa: {  	s7 =	sshll.u32 s5, $0xF;
	s9 =	smul.u32 $0x140000, s5;
	_ =	strace $0x8000004D  }
0xb: {  	s30 =	ssub.s32 $0x2, s5;
	s5 =	sadd.s32 $0x22800, s6;
	s23 =	sor.u32 $0x1C02, s23  }
0xc: {  	s7 =	sor.u32 s8, s7;
	s11 =	sshrl.u32 s30, $0x1;
	s8 =	sadd.s32 s29, s9  }
0xd: {  	s31 =	sshrl.u32 s10, $0x2;
	s17 =	ssub.s32 s30, s11;
	s8 =	sshrl.u32 s8, $0x3  }
0xe: {  	s7 =	sadd.s32 s7, s6;
	s17 =	smax.u32 s17, $0x1;
	s16 =	sadd.s32 s8, s6  }
0xf: {  	s6 =	sadd.s32 $0x12800, s7;
	s7 =	sadd.s32 $0x2800, s7;
	s8 =	sadd.s32 s31, s3  }
0x10: {  	s9 =	sadd.s32 $0x2800, s8;
	s10 =	sadd.s32 $0x5000, s8;
	s11 =	sadd.s32 $0x7800, s8  }
0x11: {  	s12 =	sadd.s32 $0xA000, s8;
	s13 =	sadd.s32 $0xC800, s8;
	s14 =	sadd.s32 $0xF000, s8  }
0x12: {  	s15 =	sadd.s32 $0x11800, s8;
	s16 =	sadd.s32 $0x22E00, s16;
	s24 =	sshrl.u32 s8, $0x3  }
.LBB2_1:
0x13: {  	[tilespmem:s4], [sflag:$0x2] =	stream.linear.gather [hbm4b:s6+s4], $0x3E80, $0x38;
	[tilespmem:$0x1E800] =	vst v63  }
0x14: {  	_ =	swait.ge [sflag:s18], $0x3E80  }
0x15: {  	[sflag:s18] =	ssyncset.done $0x0  }
0x16: {  	[sflag:s18] =	ssyncadd.s32 $0xFFFFC180  }
0x17: {  	[tilespmem:s19], [sflag:$0x2] =	stream.linear.gather [hbm4b:s7+s4], $0x3E80, $0x38;
	[tilespmem:$0x1E800] =	vst v63  }
0x18: {  	_ =	swait.ge [sflag:s18], $0x3E80  }
0x19: {  	[sflag:s18] =	ssyncset.done $0x0  }
0x1a: {  	[sflag:s18] =	ssyncadd.s32 $0xFFFFC180  }
0x1b: {  	[tilespmem:s20], [sflag:$0x2] =	stream.linear.gather [hbm4b:s5+s4], $0x2800, $0x38;
	[tilespmem:$0x1E800] =	vst v63  }
0x1c: {  	_ =	swait.ge [sflag:s18], $0x2800  }
0x1d: {  	[sflag:s18] =	ssyncset.done $0x0  }
0x1e: {  	[sflag:s18] =	ssyncadd.s32 $0xFFFFD800  }
0x1f: {  	[spmem:s8] =	stream.linear.scatter [tilespmem:s20], [sflag:$0x2], $0x2800, $0x38;
	[tilespmem:$0x1E800] =	vst v63  }
0x20: {  	_ =	swait.ge [sflag:s18], $0x2800  }
0x21: {  	[sflag:s18] =	ssyncset.done $0x0  }
0x22: {  	[sflag:s18] =	ssyncadd.s32 $0xFFFFD800  }
0x23: {  	[spmem:s9] =	stream.linear.scatter [tilespmem:s20], [sflag:$0x2], $0x2800, $0x38;
	[tilespmem:$0x1E800] =	vst v63  }
0x24: {  	_ =	swait.ge [sflag:s18], $0x2800  }
0x25: {  	[sflag:s18] =	ssyncset.done $0x0  }
0x26: {  	[sflag:s18] =	ssyncadd.s32 $0xFFFFD800  }
0x27: {  	[spmem:s10] =	stream.linear.scatter [tilespmem:s20], [sflag:$0x2], $0x2800, $0x38;
	[tilespmem:$0x1E800] =	vst v63  }
0x28: {  	_ =	swait.ge [sflag:s18], $0x2800  }
0x29: {  	[sflag:s18] =	ssyncset.done $0x0  }
0x2a: {  	[sflag:s18] =	ssyncadd.s32 $0xFFFFD800  }
0x2b: {  	[spmem:s11] =	stream.linear.scatter [tilespmem:s20], [sflag:$0x2], $0x2800, $0x38;
	[tilespmem:$0x1E800] =	vst v63  }
0x2c: {  	_ =	swait.ge [sflag:s18], $0x2800  }
0x2d: {  	[sflag:s18] =	ssyncset.done $0x0  }
0x2e: {  	[sflag:s18] =	ssyncadd.s32 $0xFFFFD800  }
0x2f: {  	[spmem:s12] =	stream.linear.scatter [tilespmem:s20], [sflag:$0x2], $0x2800, $0x38;
	[tilespmem:$0x1E800] =	vst v63  }
0x30: {  	_ =	swait.ge [sflag:s18], $0x2800  }
0x31: {  	[sflag:s18] =	ssyncset.done $0x0  }
0x32: {  	[sflag:s18] =	ssyncadd.s32 $0xFFFFD800  }
0x33: {  	[spmem:s13] =	stream.linear.scatter [tilespmem:s20], [sflag:$0x2], $0x2800, $0x38;
	[tilespmem:$0x1E800] =	vst v63  }
0x34: {  	_ =	swait.ge [sflag:s18], $0x2800  }
0x35: {  	[sflag:s18] =	ssyncset.done $0x0  }
0x36: {  	[sflag:s18] =	ssyncadd.s32 $0xFFFFD800  }
0x37: {  	[spmem:s14] =	stream.linear.scatter [tilespmem:s20], [sflag:$0x2], $0x2800, $0x38;
	[tilespmem:$0x1E800] =	vst v63  }
0x38: {  	_ =	swait.ge [sflag:s18], $0x2800  }
0x39: {  	[sflag:s18] =	ssyncset.done $0x0  }
0x3a: {  	[sflag:s18] =	ssyncadd.s32 $0xFFFFD800  }
0x3b: {  	[spmem:s15] =	stream.linear.scatter [tilespmem:s20], [sflag:$0x2], $0x2800, $0x38;
	[tilespmem:$0x1E800] =	vst v63  }
0x3c: {  	_ =	swait.ge [sflag:s18], $0x2800  }
0x3d: {  	[sflag:s18] =	ssyncset.done $0x0  }
0x3e: {  	[sflag:s18] =	ssyncadd.s32 $0xFFFFD800  }
0x3f: {  	s26 =	simm.s32 $0x0;
	[bflag:$0x0] =	sbarrier.arrive $0xFFFF  }
0x40: {  	[tilespmem:s20], [sflag:$0x1] =	stream.indirect.gather [hbm4b:s1+s21], $0x80, s26, s21, $0xb8;
	[tilespmem:$0x1E800] =	vst v63  }
0x41: {  	_ =	swait.ge [sflag:s22], $0x2800  }
0x42: {  	[sflag:s22] =	ssyncset.done $0x0  }
0x43: {  	s31 =	simm.s32 $0x4000;
	[sflag:s22] =	ssyncadd.s32 $0xFFFFD800  }
0x44: {  	[spmem:s3] =	stream.indirect.scatter.add.f32 [tilespmem:s20], [sflag:$0x2], $0x80, s31, s21, $0xb8;
	[tilespmem:$0x1E800] =	vst v63  }
0x45: {  	_ =	swait.ge [sflag:s18], $0x2800  }
0x46: {  	s28 =	simm.s32 $0x400;
	s26 =	simm.s32 $0x200;
	[sflag:s18] =	ssyncset.done $0x0  }
.LBB2_2:
0x47: {  	s29 =	sshra.s32 s26, $0x2  }
0x48: {  	[sflag:s18] =	ssyncadd.s32 $0xFFFFD800;
	s26 =	smov.u32 s28;
	s30 =	sadd.s32 $0x200, s28  }
0x49: {  	[tilespmem:s20], [sflag:$0x1] =	stream.indirect.gather [hbm4b:s1+s21], $0x80, s29, s21, $0xb8;
	[tilespmem:$0x1E800] =	vst v63  }
0x4a: {  	p0 =	sne.s32 s28, $0xF800;
	_ =	swait.ge [sflag:s22], $0x2800  }
.Ltmp0:
0x4b: {  	[sflag:s22] =	ssyncset.done $0x0;
	(pc) =	sbr.rel @p0 .LBB2_2-.Ltmp0, $4  }
0x4c: {  	s28 =	sadd.s32 $0x4000, s29;
	[sflag:s22] =	ssyncadd.s32 $0xFFFFD800  }
0x4d: {  	[spmem:s3] =	stream.indirect.scatter.add.f32 [tilespmem:s20], [sflag:$0x2], $0x80, s28, s21, $0xb8;
	[tilespmem:$0x1E800] =	vst v63  }
0x4e: {  	_ =	swait.ge [sflag:s18], $0x2800  }
0x4f: {  	s28 =	smov.u32 s30;
	[sflag:s18] =	ssyncset.done $0x0  }
0x50: {  	s26 =	sshra.s32 s26, $0x2;
	[sflag:s18] =	ssyncadd.s32 $0xFFFFD800  }
0x51: {  	[tilespmem:s20], [sflag:$0x1] =	stream.indirect.gather [hbm4b:s1+s21], $0x80, s26, s21, $0xb8;
	[tilespmem:$0x1E800] =	vst v63  }
0x52: {  	_ =	swait.ge [sflag:s22], $0x2800  }
0x53: {  	[sflag:s22] =	ssyncset.done $0x0  }
0x54: {  	s26 =	sadd.s32 $0x4000, s26;
	[sflag:s22] =	ssyncadd.s32 $0xFFFFD800  }
0x55: {  	[spmem:s3] =	stream.indirect.scatter.add.f32 [tilespmem:s20], [sflag:$0x2], $0x80, s26, s21, $0xb8;
	[tilespmem:$0x1E800] =	vst v63  }
0x56: {  	_ =	swait.ge [sflag:s18], $0x2800  }
0x57: {  	s25 =	sadd.s32 $0x1, s25;
	[sflag:s18] =	ssyncset.done $0x0  }
0x58: {  	p0 =	sne.s32 s25, s17;
	[sflag:s18] =	ssyncadd.s32 $0xFFFFD800  }
.Ltmp1:
0x59: {  	[bflag:$0x0] =	sbarrier.arrive $0xFFFF;
	(pc) =	sbr.rel @p0 .LBB2_1-.Ltmp1, $4  }
0x5a: {  	[hbm:s16], [sflag:s23] =	dma.local [spmem:s24], $0x2800  }
0x5b: {  	_ =	swait.ge [sflag:s18], $0x2800  }
0x5c: {  	[sflag:s18] =	ssyncset.done $0x0  }
0x5d: {  	[sflag:s18] =	ssyncadd.s32 $0xFFFFD800  }
0x5e: {  	_ =	sfence.sel $0x180000  }
0x5f: {  	[bflag:$0x0] =	sbarrier.arrive $0xFFFF  }
0x60: {  	p0 =	sne.s32 s2, $0x0;
	_ =	strace $0x9000004D  }
0x61: {  	s0 =	sadd.s32 @!p0 $0x100000, s0;
	[bflag:$0x2] =	sbarrier.arrive $0xFFFF  }
0x62: {  	[sflag:s0] =	ssyncadd.tile.s32 @!p0 $0x1;
	_ =	shalt  }
.Lfunc_end2:
_tile_overlayer_lowered:
.L_overlay_start_2:
0x63: {  	(tag) =	ssettag $0x2  }
0x64: {  	s0 =	rddreg [dreg:$0x0];
	s2 =	stileid.u32  }
0x65: {  	s1 =	rddreg [dreg:$0x1];
	p0 =	sne.s32 s2, $0x0  }
0x66: {  	s3 =	rddreg [dreg:$0x2];
	[bflag:$0x3] =	sbarrier.arrive $0xFFFF;
	s2 =	simm.s32 @!p0 $0x1C02  }
0x67: {  	[timem:s3], [sflag:s2] =	dma.local @!p0 [hbm:s0], s1  }
0x68: {  	s0 =	simm.s32 @!p0 $0x2  }
0x69: {  	_ =	swait.ge @!p0 [sflag:s0], s1  }
0x6a: {  	s1 =	ssub.s32 @!p0 $0x0, s1;
	[sflag:s0] =	ssyncset.done @!p0 $0x0  }
0x6b: {  	[sflag:s0] =	ssyncadd.s32 @!p0 s1  }
0x6c: {  	[bflag:$0x3] =	sbarrier.arrive $0xFFFF  }
0x6d: {  	_ =	shalt  }

// kernel: kernel.9.cloned.1.call-start
scs
__scs_entry_jumppad:
0x0: {  	(pc) =	sbr.rel $0x88, $3  }
0x1: {  	(tag) =	ssettag $0x0;
	lr =	simm.s32 $0x1  }
0x2: {  	[smem:$0x3F95] =	sst lr;
	_ =	strace $0xD0000000  }
0x3: {  	_ = 	snop  }
0x4: {  	_ = 	snop  }
0x5: {  	_ = 	snop  }
0x6: {  	_ = 	snop  }
0x7: {  	_ = 	snop  }
__scs_overlays_trampoline_lowered:
0x8: {  	[smem:$0x3FA4] =	sst s0  }
0x9: {  	[smem:$0x3FA5] =	sst s1  }
0xa: {  	[smem:$0x3FA6] =	sst s2  }
0xb: {  	[smem:$0x3FA7] =	sst s3  }
0xc: {  	[smem:$0x3FA8] =	sst s4  }
0xd: {  	[smem:$0x3FA9] =	sst s5  }
0xe: {  	[smem:$0x3FAA] =	sst s6  }
0xf: {  	[smem:$0x3FAB] =	sst s7  }
0x10: {  	[smem:$0x3FAC] =	sst s8  }
0x11: {  	[smem:$0x3FAD] =	sst s9;
	s0 =	simm.s32 @!p0 $0x0  }
0x12: {  	s1 =	sld [smem:$0x3F93];
	s0 =	simm.s32 @p0 $0x1  }
0x13: {  	[smem:$0x3FAE] =	sst s0;
	s0 =	simm.s32 @!p1 $0x0  }
0x14: {  	s2 =	sld [smem:$0x3F92];
	s0 =	simm.s32 @p1 $0x1  }
0x15: {  	[smem:$0x3FAF] =	sst s0;
	s0 =	simm.s32 @!p2 $0x0  }
0x16: {  	s3 =	sld [smem:$0x3FDB];
	s0 =	simm.s32 @p2 $0x1  }
0x17: {  	s4 =	simm.s32 $0x1BF5;
	[smem:$0x3FB1] =	sst s0  }
0x18: {  	s0 =	sld [smem:$0x3F94];
	_ =	swait.ge [sflag:s4], $0x0  }
0x19: {  	s7 =	sld [smem:$0x3F95]  }
0x1a: {  	s8 =	sadd.s32 $0xFFFFE003, lr  }
0x1b: {  	s9 =	sadd.s32 $0xFFFFFEF7, lr;
	s5 =	simm.s32 $0xFFFFFFFF;
	p2 =	slt.u32 s8, $0xFFFFF086  }
0x1c: {  	p1 =	slt.u32 s9, $0xF7A;
	s5 =	simm.s32 @!p2 $0x0  }
0x1d: {  	s5 =	simm.s32 @p1 $0x1;
	p0 =	seq.s32 s7, s2  }
0x1e: {  	s7 =	smul.u32 @!p0 $0xF7A, s2;
	p2 =	seq.s32 @!p0 s5, $0x0  }
0x1f: {  	s9 =	smul.u32 $0xF7A, s1;
	s8 =	simm.s32 @!p0 $0x1BF5;
	p2 =	por !p2, p0  }
0x20: {  	[sflag:s8] =	ssyncset.s32 @!p0 $0xFFFFF086;
	s6 =	sadd.s32 @!p0 s3, s7;
	s7 =	simm.s32 @!p0 $0x108  }
0x21: {  	s3 =	sadd.s32 s3, s9;
	s6 =	sadd.s32 @!p0 $0x88, s6;
	s7 =	simm.s32 @p2 $0x1082  }
0x22: {  	[simem:s7], [sflag:s8] =	dma.local @!p0 [hbm:s6], $0xF7A  }
0x23: {  	s9 =	sor.u32 $0xD0000000, s2;
	s6 =	simm.s32 $0x108;
	_ =	swait.ge @!p0 [sflag:s8], $0x0  }
0x24: {  	s3 =	sadd.s32 $0x88, s3;
	s6 =	simm.s32 @!p1 $0x1082;
	[sflag:s4] =	ssyncset.s32 $0xFFFFF086  }
0x25: {  	[simem:s6], [sflag:s4] =	dma.local [hbm:s3], $0xF7A  }
0x26: {  	[smem:$0x3F95] =	sst s1;
	(tag) =	ssettag s2;
	_ =	strace s9  }
0x27: {  	s1 =	sld [smem:$0x3FA5]  }
0x28: {  	s2 =	sld [smem:$0x3FA6]  }
0x29: {  	s4 =	sld [smem:$0x3FA8]  }
0x2a: {  	p0 =	seq.s32 s5, $0x0;
	s5 =	sld [smem:$0x3FA9]  }
0x2b: {  	s6 =	sld [smem:$0x3FAA]  }
0x2c: {  	s7 =	sld [smem:$0x3FAB]  }
0x2d: {  	s3 =	simm.s32 $0x108;
	s8 =	sld [smem:$0x3FAC]  }
0x2e: {  	s3 =	simm.s32 @!p0 $0x1082;
	s9 =	sld [smem:$0x3FAD]  }
0x2f: {  	lr =	sadd.s32 s0, s3;
	s0 =	sld [smem:$0x3FA4]  }
0x30: {  	s3 =	sld [smem:$0x3FA7]  }
0x31: {  	[smem:$0x3FB0] =	sst s10  }
0x32: {  	s10 =	sld [smem:$0x3FAE];
	_ =	sdelay $0x3  }
0x33: {  	p0 =	seq.s32 s10, $0x1;
	s10 =	sld [smem:$0x3FB0];
	_ =	sdelay $0x3  }
0x34: {  	[smem:$0x3FB0] =	sst s10  }
0x35: {  	s10 =	sld [smem:$0x3FAF];
	_ =	sdelay $0x3  }
0x36: {  	p1 =	seq.s32 s10, $0x1;
	s10 =	sld [smem:$0x3FB0];
	_ =	sdelay $0x3  }
0x37: {  	[smem:$0x3FB0] =	sst s10  }
0x38: {  	s10 =	sld [smem:$0x3FB1]  }
0x39: {  	_ = 	snop;
	(pc) =	sbr.ind lr, $3  }
0x3a: {  	_ = 	snop  }
0x3b: {  	_ = 	snop  }
0x3c: {  	p2 =	seq.s32 s10, $0x1;
	s10 =	sld [smem:$0x3FB0]  }
0x3d: {  	_ =	shalt  }
0x3e: {  	_ =	shalt  }
0x3f: {  	_ =	shalt  }
0x40: {  	_ =	shalt  }
0x41: {  	_ =	shalt  }
0x42: {  	_ =	shalt  }
0x43: {  	_ =	shalt  }
0x44: {  	_ =	shalt  }
0x45: {  	_ =	shalt  }
0x46: {  	_ =	shalt  }
0x47: {  	_ =	shalt  }
0x48: {  	_ =	shalt  }
0x49: {  	_ =	shalt  }
0x4a: {  	_ =	shalt  }
0x4b: {  	_ =	shalt  }
0x4c: {  	_ =	shalt  }
0x4d: {  	_ =	shalt  }
0x4e: {  	_ =	shalt  }
0x4f: {  	_ =	shalt  }
0x50: {  	_ =	shalt  }
0x51: {  	_ =	shalt  }
0x52: {  	_ =	shalt  }
0x53: {  	_ =	shalt  }
0x54: {  	_ =	shalt  }
0x55: {  	_ =	shalt  }
0x56: {  	_ =	shalt  }
0x57: {  	_ =	shalt  }
0x58: {  	_ =	shalt  }
0x59: {  	_ =	shalt  }
0x5a: {  	_ =	shalt  }
0x5b: {  	_ =	shalt  }
0x5c: {  	_ =	shalt  }
0x5d: {  	_ =	shalt  }
0x5e: {  	_ =	shalt  }
0x5f: {  	_ =	shalt  }
0x60: {  	_ =	shalt  }
0x61: {  	_ =	shalt  }
0x62: {  	_ =	shalt  }
0x63: {  	_ =	shalt  }
0x64: {  	_ =	shalt  }
0x65: {  	_ =	shalt  }
0x66: {  	_ =	shalt  }
0x67: {  	_ =	shalt  }
0x68: {  	_ =	shalt  }
0x69: {  	_ =	shalt  }
0x6a: {  	_ =	shalt  }
0x6b: {  	_ =	shalt  }
0x6c: {  	_ =	shalt  }
0x6d: {  	_ =	shalt  }
0x6e: {  	_ =	shalt  }
0x6f: {  	_ =	shalt  }
0x70: {  	_ =	shalt  }
0x71: {  	_ =	shalt  }
0x72: {  	_ =	shalt  }
0x73: {  	_ =	shalt  }
0x74: {  	_ =	shalt  }
0x75: {  	_ =	shalt  }
0x76: {  	_ =	shalt  }
0x77: {  	_ =	shalt  }
0x78: {  	_ =	shalt  }
0x79: {  	_ =	shalt  }
0x7a: {  	_ =	shalt  }
0x7b: {  	_ =	shalt  }
0x7c: {  	_ =	shalt  }
0x7d: {  	_ =	shalt  }
0x7e: {  	_ =	shalt  }
0x7f: {  	_ =	shalt  }
0x80: {  	_ =	shalt  }
0x81: {  	_ =	shalt  }
0x82: {  	_ =	shalt  }
0x83: {  	_ =	shalt  }
0x84: {  	_ =	shalt  }
0x85: {  	_ =	shalt  }
0x86: {  	_ =	shalt  }
0x87: {  	_ =	shalt  }
.Lfunc_end0:
.L_simem_size_0:
called_computation_lowered:
.L_overlay_start_0:
0x88: {  	s2 =	sld [smem:$0x3FD9]  }
0x89: {  	s3 =	sld [smem:$0x3FFE];
	_ =	sdelay $0x1  }
0x8a: {  	s1 =	srdreg.scid  }
0x8b: {  	s0 =	sand.u32 $0x1, s1  }
0x8c: {  	s17 =	sshll.u32 s0, $0xA;
	s2 =	sadd.s32 s3, s2  }
0x8d: {  	s2 =	sadd.s32 s2, s17  }
0x8e: {  	[smem:$0x3FBC] =	sst s2  }
0x8f: {  	_ = 	snop  }
0x90: {  	s2 =	sld [smem:$0x3FD0];
	(tm) =	ssettm $0x1  }
0x91: {  	s18 =	sld [smem:$0x3FFB];
	_ =	sdelay $0x3  }
0x92: {  	_ =	strace s18  }
0x93: {  	s3 =	sld [smem:$0x3FFC];
	_ =	sdelay $0x3  }
0x94: {  	_ =	strace s3  }
0x95: {  	s3 =	sld [smem:$0x3FFD];
	_ =	sdelay $0x3  }
0x96: {  	_ =	strace s3  }
0x97: {  	_ =	strace $0x8FFFFFFF  }
0x98: {  	s19 =	sld [smem:$0x3FDB];
	_ =	sdelay $0x1  }
0x99: {  	s4 =	simm.s32 $_scs_section_size  }
0x9a: {  	s5 =	simm.s32 $_size__tile_overlayer_lowered;
	s6 =	simm.s32 $_tile_overlayer_lowered  }
0x9b: {  	s22 =	simm.s32 $0x1BFF;
	s21 =	sshll.u32 s6, $0x1;
	s3 =	sadd.s32 s4, s19  }
0x9c: {  	s7 =	simm.s32 $0x0;
	s20 =	sshll.u32 s5, $0x1;
	s5 =	sadd.s32 s21, s3  }
0x9d: {  	[timem:s7], [sflag:s22] =	dma.local [hbm:s5], s20  }
0x9e: {  	_ =	swait.ge [sflag:s22], s20  }
0x9f: {  	s4 =	ssub.s32 $0x0, s20;
	[sflag:s22] =	ssyncset.done $0x0  }
0xa0: {  	[sflag:s22] =	ssyncadd.s32 s4;
	_ =	sdelay $0x1  }
0xa1: {  	s23 =	simm.s32 $0x1B8B  }
0xa2: {  	_ =	swait.ge [sflag:s23], $0x1  }
0xa3: {  	[sflag:s23] =	ssyncset.done $0x0  }
0xa4: {  	s25 =	simm.s32 $0x1B8E;
	s24 =	sld [smem:$0x3FFE];
	[sflag:s23] =	ssyncadd.s32 $0xFFFFFFFF  }
0xa5: {  	s26 =	simm.s32 $execute0_lowered;
	[smem:$0x3FD2] =	sst s25  }
0xa6: {  	s5 =	sshll.u32 s26, $0x1;
	_ =	strace $0x80000046;
	[dreg:$0x1] =	wrdreg $0xFFFFFFFF  }
0xa7: {  	s28 =	simm.s32 $_size_execute0_lowered;
	s3 =	sadd.s32 s3, s5;
	[dreg:$0x0] =	wrdreg $0x0  }
0xa8: {  	s5 =	sshll.u32 s28, $0x1;
	[dreg:$0x2] =	wrdreg s3  }
0xa9: {  	[dreg:$0x3] =	wrdreg s5  }
0xaa: {  	[dreg:$0x4] =	wrdreg $0xC0  }
0xab: {  	_ =	task [dreg:s7], $0x5FFFF  }
0xac: {  	[dreg:$0x1] =	wrdreg $0xFFFFFFFF  }
0xad: {  	[dreg:$0x0] =	wrdreg $0x60  }
0xae: {  	[dreg:$0x2] =	wrdreg s2  }
0xaf: {  	[dreg:$0x3] =	wrdreg s24  }
0xb0: {  	[dreg:$0x4] =	wrdreg $0xA8000  }
0xb1: {  	[dreg:$0x5] =	wrdreg $0x9  }
0xb2: {  	_ =	task.clear_ibuf [dreg:s7], $0x6FFFF;
	_ =	strace $0x90000046  }
0xb3: {  	s29 =	simm.s32 $0x9;
	_ =	strace $0x80000048  }
0xb4: {  	_ =	swait.ge [sflag:s29], $0x1  }
0xb5: {  	[sflag:s29] =	ssyncadd.s32 $0xFFFFFFFF  }
0xb6: {  	_ =	strace $0x90000048  }
0xb7: {  	_ =	sfence  }
0xb8: {  	s30 =	sld [smem:$0x0];
	_ =	sdelay $0x2  }
0xb9: {  	s31 =	sshll.u32 s1, $0xD;
	s1 =	sshrl.u32 s1, $0x2  }
0xba: {  	s3 =	sand.u32 $0x4000, s31;
	s1 =	sadd.s32 s1, s30  }
0xbb: {  	s0 =	sor.u32 s3, s0;
	s1 =	sshll.u32 s1, $0x11  }
0xbc: {  	s0 =	sor.u32 s1, s0  }
0xbd: {  	s0 =	sadd.s32 $0x8F2B, s0  }
0xbe: {  	[sflag:s0] =	ssyncadd.remote.s32 $0x1  }
0xbf: {  	_ =	sfence.sel $0xFFFF  }
0xc0: {  	[dreg:$0x0] =	wrdreg $0xFFFFFFFF;
	(pc) =	sbr.abs _section_cstart, $3  }
0xc1: {  	[dreg:$0x1] =	wrdreg $0xFFFFFFFF  }
0xc2: {  	_ =	task.clear_ibuf [dreg:s7], $0x2FFFF;
	_ =	strace $0x9FFFFFFF  }
0xc3: {  	(tm) =	ssettm $0x7FFFFFFF  }
tec
execute0_lowered:
.L_overlay_start_1:
0x0: {  	(tag) =	ssettag $0x1  }
0x1: {  	s1 =	rddreg [dreg:$0x0]  }
0x2: {  	s6 =	rddreg [dreg:$0x1]  }
0x3: {  	s3 =	rddreg [dreg:$0x2]  }
0x4: {  	s0 =	rddreg [dreg:$0x3]  }
0x5: {  	s5 =	srdreg.scid;
	s4 =	simm.s32 $0x0;
	s2 =	stileid.u32  }
0x6: {  	s18 =	simm.s32 $0x2;
	s19 =	simm.s32 $0x4000;
	s20 =	simm.s32 $0x8000  }
0x7: {  	s21 =	simm.s32 $0x50;
	s22 =	simm.s32 $0x1;
	s25 =	simm.s32 $0x0  }
0x8: {  	s5 =	sand.u32 $0x1, s5;
	s8 =	sshll.u32 s2, $0xB;
	s29 =	smul.u32 $0x14000, s2  }
0x9: {  	[smem:$0x7FF] =	sst s4;
	s10 =	smul.u32 $0x50000, s2;
	s23 =	sshll.u32 s2, $0x6  }
0xa: {  	s7 =	sshll.u32 s5, $0xF;
	s9 =	smul.u32 $0x140000, s5;
	_ =	strace $0x80000047  }
0xb: {  	s30 =	ssub.s32 $0x2, s5;
	s5 =	sadd.s32 $0x22800, s6;
	s23 =	sor.u32 $0x1C02, s23  }
0xc: {  	s7 =	sor.u32 s8, s7;
	s11 =	sshrl.u32 s30, $0x1;
	s8 =	sadd.s32 s29, s9  }
0xd: {  	s31 =	sshrl.u32 s10, $0x2;
	s17 =	ssub.s32 s30, s11;
	s8 =	sshrl.u32 s8, $0x3  }
0xe: {  	s7 =	sadd.s32 s7, s6;
	s17 =	smax.u32 s17, $0x1;
	s16 =	sadd.s32 s8, s6  }
0xf: {  	s6 =	sadd.s32 $0x12800, s7;
	s7 =	sadd.s32 $0x2800, s7;
	s8 =	sadd.s32 s31, s3  }
0x10: {  	s9 =	sadd.s32 $0x2800, s8;
	s10 =	sadd.s32 $0x5000, s8;
	s11 =	sadd.s32 $0x7800, s8  }
0x11: {  	s12 =	sadd.s32 $0xA000, s8;
	s13 =	sadd.s32 $0xC800, s8;
	s14 =	sadd.s32 $0xF000, s8  }
0x12: {  	s15 =	sadd.s32 $0x11800, s8;
	s16 =	sadd.s32 $0x22E00, s16;
	s24 =	sshrl.u32 s8, $0x3  }
.LBB2_1:
0x13: {  	[tilespmem:s4], [sflag:$0x2] =	stream.linear.gather [hbm4b:s6+s4], $0x3E80, $0x38;
	[tilespmem:$0x1E800] =	vst v63  }
0x14: {  	_ =	swait.ge [sflag:s18], $0x3E80  }
0x15: {  	[sflag:s18] =	ssyncset.done $0x0  }
0x16: {  	[sflag:s18] =	ssyncadd.s32 $0xFFFFC180  }
0x17: {  	[tilespmem:s19], [sflag:$0x2] =	stream.linear.gather [hbm4b:s7+s4], $0x3E80, $0x38;
	[tilespmem:$0x1E800] =	vst v63  }
0x18: {  	_ =	swait.ge [sflag:s18], $0x3E80  }
0x19: {  	[sflag:s18] =	ssyncset.done $0x0  }
0x1a: {  	[sflag:s18] =	ssyncadd.s32 $0xFFFFC180  }
0x1b: {  	[tilespmem:s20], [sflag:$0x2] =	stream.linear.gather [hbm4b:s5+s4], $0x2800, $0x38;
	[tilespmem:$0x1E800] =	vst v63  }
0x1c: {  	_ =	swait.ge [sflag:s18], $0x2800  }
0x1d: {  	[sflag:s18] =	ssyncset.done $0x0  }
0x1e: {  	[sflag:s18] =	ssyncadd.s32 $0xFFFFD800  }
0x1f: {  	[spmem:s8] =	stream.linear.scatter [tilespmem:s20], [sflag:$0x2], $0x2800, $0x38;
	[tilespmem:$0x1E800] =	vst v63  }
0x20: {  	_ =	swait.ge [sflag:s18], $0x2800  }
0x21: {  	[sflag:s18] =	ssyncset.done $0x0  }
0x22: {  	[sflag:s18] =	ssyncadd.s32 $0xFFFFD800  }
0x23: {  	[spmem:s9] =	stream.linear.scatter [tilespmem:s20], [sflag:$0x2], $0x2800, $0x38;
	[tilespmem:$0x1E800] =	vst v63  }
0x24: {  	_ =	swait.ge [sflag:s18], $0x2800  }
0x25: {  	[sflag:s18] =	ssyncset.done $0x0  }
0x26: {  	[sflag:s18] =	ssyncadd.s32 $0xFFFFD800  }
0x27: {  	[spmem:s10] =	stream.linear.scatter [tilespmem:s20], [sflag:$0x2], $0x2800, $0x38;
	[tilespmem:$0x1E800] =	vst v63  }
0x28: {  	_ =	swait.ge [sflag:s18], $0x2800  }
0x29: {  	[sflag:s18] =	ssyncset.done $0x0  }
0x2a: {  	[sflag:s18] =	ssyncadd.s32 $0xFFFFD800  }
0x2b: {  	[spmem:s11] =	stream.linear.scatter [tilespmem:s20], [sflag:$0x2], $0x2800, $0x38;
	[tilespmem:$0x1E800] =	vst v63  }
0x2c: {  	_ =	swait.ge [sflag:s18], $0x2800  }
0x2d: {  	[sflag:s18] =	ssyncset.done $0x0  }
0x2e: {  	[sflag:s18] =	ssyncadd.s32 $0xFFFFD800  }
0x2f: {  	[spmem:s12] =	stream.linear.scatter [tilespmem:s20], [sflag:$0x2], $0x2800, $0x38;
	[tilespmem:$0x1E800] =	vst v63  }
0x30: {  	_ =	swait.ge [sflag:s18], $0x2800  }
0x31: {  	[sflag:s18] =	ssyncset.done $0x0  }
0x32: {  	[sflag:s18] =	ssyncadd.s32 $0xFFFFD800  }
0x33: {  	[spmem:s13] =	stream.linear.scatter [tilespmem:s20], [sflag:$0x2], $0x2800, $0x38;
	[tilespmem:$0x1E800] =	vst v63  }
0x34: {  	_ =	swait.ge [sflag:s18], $0x2800  }
0x35: {  	[sflag:s18] =	ssyncset.done $0x0  }
0x36: {  	[sflag:s18] =	ssyncadd.s32 $0xFFFFD800  }
0x37: {  	[spmem:s14] =	stream.linear.scatter [tilespmem:s20], [sflag:$0x2], $0x2800, $0x38;
	[tilespmem:$0x1E800] =	vst v63  }
0x38: {  	_ =	swait.ge [sflag:s18], $0x2800  }
0x39: {  	[sflag:s18] =	ssyncset.done $0x0  }
0x3a: {  	[sflag:s18] =	ssyncadd.s32 $0xFFFFD800  }
0x3b: {  	[spmem:s15] =	stream.linear.scatter [tilespmem:s20], [sflag:$0x2], $0x2800, $0x38;
	[tilespmem:$0x1E800] =	vst v63  }
0x3c: {  	_ =	swait.ge [sflag:s18], $0x2800  }
0x3d: {  	[sflag:s18] =	ssyncset.done $0x0  }
0x3e: {  	[sflag:s18] =	ssyncadd.s32 $0xFFFFD800  }
0x3f: {  	s26 =	simm.s32 $0x0;
	[bflag:$0x0] =	sbarrier.arrive $0xFFFF  }
0x40: {  	[tilespmem:s20], [sflag:$0x1] =	stream.indirect.gather [hbm4b:s1+s21], $0x80, s26, s21, $0xb8;
	[tilespmem:$0x1E800] =	vst v63  }
0x41: {  	_ =	swait.ge [sflag:s22], $0x2800  }
0x42: {  	[sflag:s22] =	ssyncset.done $0x0  }
0x43: {  	s31 =	simm.s32 $0x4000;
	[sflag:s22] =	ssyncadd.s32 $0xFFFFD800  }
0x44: {  	[spmem:s3] =	stream.indirect.scatter.add.f32 [tilespmem:s20], [sflag:$0x2], $0x80, s31, s21, $0xb8;
	[tilespmem:$0x1E800] =	vst v63  }
0x45: {  	_ =	swait.ge [sflag:s18], $0x2800  }
0x46: {  	s28 =	simm.s32 $0x400;
	s26 =	simm.s32 $0x200;
	[sflag:s18] =	ssyncset.done $0x0  }
.LBB2_2:
0x47: {  	s29 =	sshra.s32 s26, $0x2  }
0x48: {  	[sflag:s18] =	ssyncadd.s32 $0xFFFFD800;
	s26 =	smov.u32 s28;
	s30 =	sadd.s32 $0x200, s28  }
0x49: {  	[tilespmem:s20], [sflag:$0x1] =	stream.indirect.gather [hbm4b:s1+s21], $0x80, s29, s21, $0xb8;
	[tilespmem:$0x1E800] =	vst v63  }
0x4a: {  	p0 =	sne.s32 s28, $0xF800;
	_ =	swait.ge [sflag:s22], $0x2800  }
.Ltmp0:
0x4b: {  	[sflag:s22] =	ssyncset.done $0x0;
	(pc) =	sbr.rel @p0 .LBB2_2-.Ltmp0, $4  }
0x4c: {  	s28 =	sadd.s32 $0x4000, s29;
	[sflag:s22] =	ssyncadd.s32 $0xFFFFD800  }
0x4d: {  	[spmem:s3] =	stream.indirect.scatter.add.f32 [tilespmem:s20], [sflag:$0x2], $0x80, s28, s21, $0xb8;
	[tilespmem:$0x1E800] =	vst v63  }
0x4e: {  	_ =	swait.ge [sflag:s18], $0x2800  }
0x4f: {  	s28 =	smov.u32 s30;
	[sflag:s18] =	ssyncset.done $0x0  }
0x50: {  	s26 =	sshra.s32 s26, $0x2;
	[sflag:s18] =	ssyncadd.s32 $0xFFFFD800  }
0x51: {  	[tilespmem:s20], [sflag:$0x1] =	stream.indirect.gather [hbm4b:s1+s21], $0x80, s26, s21, $0xb8;
	[tilespmem:$0x1E800] =	vst v63  }
0x52: {  	_ =	swait.ge [sflag:s22], $0x2800  }
0x53: {  	[sflag:s22] =	ssyncset.done $0x0  }
0x54: {  	s26 =	sadd.s32 $0x4000, s26;
	[sflag:s22] =	ssyncadd.s32 $0xFFFFD800  }
0x55: {  	[spmem:s3] =	stream.indirect.scatter.add.f32 [tilespmem:s20], [sflag:$0x2], $0x80, s26, s21, $0xb8;
	[tilespmem:$0x1E800] =	vst v63  }
0x56: {  	_ =	swait.ge [sflag:s18], $0x2800  }
0x57: {  	s25 =	sadd.s32 $0x1, s25;
	[sflag:s18] =	ssyncset.done $0x0  }
0x58: {  	p0 =	sne.s32 s25, s17;
	[sflag:s18] =	ssyncadd.s32 $0xFFFFD800  }
.Ltmp1:
0x59: {  	[bflag:$0x0] =	sbarrier.arrive $0xFFFF;
	(pc) =	sbr.rel @p0 .LBB2_1-.Ltmp1, $4  }
0x5a: {  	[hbm:s16], [sflag:s23] =	dma.local [spmem:s24], $0x2800  }
0x5b: {  	_ =	swait.ge [sflag:s18], $0x2800  }
0x5c: {  	[sflag:s18] =	ssyncset.done $0x0  }
0x5d: {  	[sflag:s18] =	ssyncadd.s32 $0xFFFFD800  }
0x5e: {  	_ =	sfence.sel $0x180000  }
0x5f: {  	[bflag:$0x0] =	sbarrier.arrive $0xFFFF  }
0x60: {  	p0 =	sne.s32 s2, $0x0;
	_ =	strace $0x90000047  }
0x61: {  	s0 =	sadd.s32 @!p0 $0x100000, s0;
	[bflag:$0x2] =	sbarrier.arrive $0xFFFF  }
0x62: {  	[sflag:s0] =	ssyncadd.tile.s32 @!p0 $0x1;
	_ =	shalt  }
.Lfunc_end2:
_tile_overlayer_lowered:
.L_overlay_start_2:
0x63: {  	(tag) =	ssettag $0x2  }
0x64: {  	s0 =	rddreg [dreg:$0x0];
	s2 =	stileid.u32  }
0x65: {  	s1 =	rddreg [dreg:$0x1];
	p0 =	sne.s32 s2, $0x0  }
0x66: {  	s3 =	rddreg [dreg:$0x2];
	[bflag:$0x3] =	sbarrier.arrive $0xFFFF;
	s2 =	simm.s32 @!p0 $0x1C02  }
0x67: {  	[timem:s3], [sflag:s2] =	dma.local @!p0 [hbm:s0], s1  }
0x68: {  	s0 =	simm.s32 @!p0 $0x2  }
0x69: {  	_ =	swait.ge @!p0 [sflag:s0], s1  }
0x6a: {  	s1 =	ssub.s32 @!p0 $0x0, s1;
	[sflag:s0] =	ssyncset.done @!p0 $0x0  }
0x6b: {  	[sflag:s0] =	ssyncadd.s32 @!p0 s1  }
0x6c: {  	[bflag:$0x3] =	sbarrier.arrive $0xFFFF  }
0x6d: {  	_ =	shalt  }

</sc_bundles>
